<compile_context>
chip_gen: v7x
topology: tpu7x:2x2x1
jax: 0.10.2.dev20260603
libtpu: 0.0.44.dev20260713+nightly
codegen_flags: <defaults>
</compile_context>

<pallas_src>
import functools

import jax
import jax.numpy as jnp
from jax import lax
from jax.experimental import pallas as pl
from jax.experimental.pallas import tpu as pltpu
from jax.experimental.pallas import tpu_sc as plsc


def _wt_body(w_ref, wt_ref):
    wt_ref[...] = w_ref[...].T


def _wt_call(weight):
    d, k = weight.shape
    return pl.pallas_call(
        _wt_body,
        out_shape=jax.ShapeDtypeStruct((k, d), jnp.float32),
    )(weight)


def _argmin_body(k_codes, bb, x_ref, wt_ref, idx_ref):
    wt = wt_ref[...]
    e2 = jnp.sum(wt * wt, axis=1)
    for j in range(bb):
        xb = x_ref[j]
        st = lax.dot_general(wt, xb, (((1,), (0,)), ((), ())),
                             preferred_element_type=jnp.float32)
        x2 = jnp.sum(xb * xb, axis=0)
        dist = (x2[None, :] - 2.0 * st) + e2[:, None]
        m = jnp.min(dist, axis=0, keepdims=True)
        kiota = lax.broadcasted_iota(jnp.int32, dist.shape, 0)
        am = jnp.min(jnp.where(dist == m, kiota, k_codes), axis=0)
        idx_ref[j, 0, :] = am


def _argmin_call(x3, wt):
    b, d, p = x3.shape
    k = wt.shape[0]
    bb = 4
    return pl.pallas_call(
        functools.partial(_argmin_body, k, bb),
        grid=(b // bb,),
        in_specs=[
            pl.BlockSpec((bb, d, p), lambda i: (i, 0, 0)),
            pl.BlockSpec((k, d), lambda i: (0, 0)),
        ],
        out_specs=pl.BlockSpec((bb, 1, p), lambda i: (i, 0, 0)),
        out_shape=jax.ShapeDtypeStruct((b, 1, p), jnp.int32),
    )(x3, wt)


def _sc_gather(wt, idx):
    nc, ns = 2, 16
    nw = nc * ns
    n, d = idx.shape[0], wt.shape[1]
    b_per_w = n // nw
    ch = min(64, b_per_w)
    n_ch = b_per_w // ch
    mesh = plsc.VectorSubcoreMesh(core_axis_name="c", subcore_axis_name="s",
                                  num_cores=nc, num_subcores=ns)

    nbuf = min(4, n_ch)

    @functools.partial(
        pl.kernel, mesh=mesh,
        out_type=jax.ShapeDtypeStruct((n, d), jnp.float32),
        scratch_types=(
            [pltpu.VMEM((b_per_w,), jnp.int32)]
            + [pltpu.VMEM((ch, d), jnp.float32)] * nbuf
            + [pltpu.SemaphoreType.DMA] * (2 * nbuf)
        ),
    )
    def gather_kernel(table_hbm, idx_hbm, out_hbm, idx_v, *bufs_sems):
        rows_bufs = bufs_sems[:nbuf]
        gsems = bufs_sems[nbuf:2 * nbuf]
        osems = bufs_sems[2 * nbuf:]
        wid = lax.axis_index("s") * nc + lax.axis_index("c")
        base = wid * b_per_w
        pltpu.sync_copy(idx_hbm.at[pl.ds(base, b_per_w)], idx_v)
        gathers = [None] * n_ch
        outs = [None] * n_ch
        for c in range(n_ch):
            if c >= nbuf:
                outs[c - nbuf].wait()
            gathers[c] = pltpu.async_copy(
                table_hbm.at[idx_v.at[pl.ds(c * ch, ch)]],
                rows_bufs[c % nbuf], gsems[c % nbuf])
            if c >= 1:
                gathers[c - 1].wait()
                outs[c - 1] = pltpu.async_copy(
                    rows_bufs[(c - 1) % nbuf],
                    out_hbm.at[pl.ds(base + (c - 1) * ch, ch)],
                    osems[(c - 1) % nbuf])
        gathers[n_ch - 1].wait()
        outs[n_ch - 1] = pltpu.async_copy(
            rows_bufs[(n_ch - 1) % nbuf],
            out_hbm.at[pl.ds(base + (n_ch - 1) * ch, ch)],
            osems[(n_ch - 1) % nbuf])
        for c in range(max(0, n_ch - nbuf), n_ch):
            outs[c].wait()

    return gather_kernel(wt, idx)


def _transpose_body(q_ref, o_ref):
    o_ref[...] = jnp.transpose(q_ref[...], (0, 2, 1))


def _transpose_call(q3):
    b, p, d = q3.shape
    bs = 8
    return pl.pallas_call(
        _transpose_body,
        grid=(b // bs,),
        in_specs=[pl.BlockSpec((bs, p, d), lambda i: (i, 0, 0))],
        out_specs=pl.BlockSpec((bs, d, p), lambda i: (i, 0, 0)),
        out_shape=jax.ShapeDtypeStruct((b, d, p), jnp.float32),
    )(q3)


def kernel(x, weight):
    b, d, h, w = x.shape
    p = h * w
    x3 = x.reshape(b, d, p)
    wt = _wt_call(weight)
    idx3 = _argmin_call(x3, wt)
    quant = _sc_gather(wt, idx3.reshape(b * p))
    res3 = _transpose_call(quant.reshape(b, p, d))
    return res3.reshape(b, d, h, w), idx3.reshape(b, h, w)

# --- scband reference (transcript-rebuilt; emitter-appended) ---
"""Pipeline reference for scband-nearest-embed-45999099740649 (READ-ONLY COPY).

The authoritative reference and input builder live on the scoring server;
editing this copy changes nothing except your own understanding.
"""

import jax, jax.numpy as jnp
import numpy as np

B, D, H, W = 16, 256, 32, 32
K = 1024

def setup_inputs(seed: int = 0) -> dict:
    key = jax.random.key(seed)
    k1, k2 = jax.random.split(key)
    x = jax.random.normal(k1, (B, D, H, W), dtype=jnp.float32)
    # NearestEmbed with rd_init=True uses torch.rand (uniform [0,1)) of shape (emb_dim, num_emb)
    weight = jax.random.uniform(k2, (D, K), dtype=jnp.float32)
    return {"x": x, "weight": weight}

def reference(x, weight):
    # x: (B, emb_dim, H, W); weight: (emb_dim, num_emb)
    b, d, h, w = x.shape
    k = weight.shape[1]
    # flatten latents: (B*H*W, D)
    x_flat = jnp.transpose(x, (0, 2, 3, 1)).reshape(-1, d)
    # squared L2 distance over emb_dim between each latent vector and each codebook column
    # ||x - e||^2 = ||x||^2 - 2 x.e + ||e||^2 (same math as sum of squared diffs)
    x2 = jnp.sum(x_flat * x_flat, axis=1, keepdims=True)          # (N, 1)
    e2 = jnp.sum(weight * weight, axis=0)[None, :]                 # (1, K)
    dist = x2 - 2.0 * (x_flat @ weight) + e2                       # (N, K)
    argmin = jnp.argmin(dist, axis=-1)                             # (N,)
    # result = emb.t().index_select(0, argmin).view(B, H, W, D).permute(0, 3, 1, 2)
    quant = jnp.take(weight.T, argmin, axis=0)                     # (N, D)
    result = jnp.transpose(quant.reshape(b, h, w, d), (0, 3, 1, 2))
    return result, argmin.reshape(b, h, w)

if __name__ == "__main__":
    import jax
    _d = setup_inputs()
    print(jax.jit(kernel)(*tuple(_d.values())))

</pallas_src>

<mosaic_0001>
#map = affine_map<(d0, d1) -> (0, 0)>
#map1 = affine_map<(d0, d1) -> (0)>
module attributes {stable_mosaic.version = 14 : i64} {
  func.func @gather_kernel(%arg0: i32, %arg1: i32, %arg2: memref<1024x256xf32, #tpu.memory_space<hbm>>, %arg3: memref<16384xi32, #tpu.memory_space<hbm>>, %arg4: memref<16384x256xf32, #tpu.memory_space<hbm>>, %arg5: memref<512xi32, #tpu.memory_space<vmem>>, %arg6: memref<64x256xf32, #tpu.memory_space<vmem>>, %arg7: memref<64x256xf32, #tpu.memory_space<vmem>>, %arg8: memref<64x256xf32, #tpu.memory_space<vmem>>, %arg9: memref<64x256xf32, #tpu.memory_space<vmem>>, %arg10: memref<!tpu.dma_semaphore, #tpu.memory_space<semaphore_mem>>, %arg11: memref<!tpu.dma_semaphore, #tpu.memory_space<semaphore_mem>>, %arg12: memref<!tpu.dma_semaphore, #tpu.memory_space<semaphore_mem>>, %arg13: memref<!tpu.dma_semaphore, #tpu.memory_space<semaphore_mem>>, %arg14: memref<!tpu.dma_semaphore, #tpu.memory_space<semaphore_mem>>, %arg15: memref<!tpu.dma_semaphore, #tpu.memory_space<semaphore_mem>>, %arg16: memref<!tpu.dma_semaphore, #tpu.memory_space<semaphore_mem>>, %arg17: memref<!tpu.dma_semaphore, #tpu.memory_space<semaphore_mem>>) attributes {dimension_semantics = [#tpu.dimension_semantics<core_parallel>, #tpu.dimension_semantics<subcore_parallel>], iteration_bounds = array<i64: 2, 16>, scalar_prefetch = 0 : i64, scratch_operands = 13 : i64, tpu.core_type = #tpu.core_type<sc_vector_subcore>, window_params = [{transform_indices = #map}, {transform_indices = #map1}, {transform_indices = #map}]} {
    %mul3A = arith.constant 2 : i32
    %mul3A_0 = arith.muli %arg1, %mul3A : i32
    %add3A = arith.addi %mul3A_0, %arg0 : i32
    %mul3A_1 = arith.constant 512 : i32
    %mul3A_2 = arith.muli %add3A, %mul3A_1 : i32
    "tpu.region"() ({
      %run_scoped3A = tpu.sem_alloc : memref<!tpu.dma_semaphore, #tpu.memory_space<semaphore_mem>>
      %dma_start3A_161 = tpu.memref_slice %arg3[%mul3A_2] : memref<16384xi32, #tpu.memory_space<hbm>> -> memref<512xi32, #tpu.memory_space<hbm>>
      %dma_start3A_162 = tpu.memref_slice %arg3[%mul3A_2] : memref<16384xi32, #tpu.memory_space<hbm>> -> memref<512xi32, #tpu.memory_space<hbm>>
      tpu.enqueue_dma source(%dma_start3A_162 : memref<512xi32, #tpu.memory_space<hbm>>) target(%arg5 : memref<512xi32, #tpu.memory_space<vmem>>) target_semaphore(%run_scoped3A : memref<!tpu.dma_semaphore, #tpu.memory_space<semaphore_mem>>)
      %dma_wait3A_163 = tpu.memref_slice %arg3[%mul3A_2] : memref<16384xi32, #tpu.memory_space<hbm>> -> memref<512xi32, #tpu.memory_space<hbm>>
      %dma_wait3A_164 = tpu.memref_slice %arg3[%mul3A_2] : memref<16384xi32, #tpu.memory_space<hbm>> -> memref<512xi32, #tpu.memory_space<hbm>>
      tpu.wait_dma2 semaphore(%run_scoped3A : memref<!tpu.dma_semaphore, #tpu.memory_space<semaphore_mem>>) src(%dma_wait3A_164 : memref<512xi32, #tpu.memory_space<hbm>>) dst(%arg5 : memref<512xi32, #tpu.memory_space<vmem>>)
      tpu.yield
    }) : () -> ()
    %dma_start3A = arith.constant 0 : i32
    %dma_start3A_3 = tpu.memref_slice %arg5[%dma_start3A] : memref<512xi32, #tpu.memory_space<vmem>> -> memref<64xi32, #tpu.memory_space<vmem>>
    %dma_start3A_4 = arith.constant 0 : i32
    %dma_start3A_5 = arith.constant 0 : i32
    %dma_start3A_6 = tpu.memref_slice %arg2[%dma_start3A_4, %dma_start3A_5] : memref<1024x256xf32, #tpu.memory_space<hbm>> -> memref<1024x256xf32, #tpu.memory_space<hbm>>
    tpu.enqueue_indirect_dma source(%dma_start3A_6 : memref<1024x256xf32, #tpu.memory_space<hbm>>) target(%arg6 : memref<64x256xf32, #tpu.memory_space<vmem>>) offsets(%dma_start3A_3 : memref<64xi32, #tpu.memory_space<vmem>>) semaphore(%arg10 : memref<!tpu.dma_semaphore, #tpu.memory_space<semaphore_mem>>)
    %dma_start3A_7 = arith.constant 64 : i32
    %dma_start3A_8 = tpu.memref_slice %arg5[%dma_start3A_7] : memref<512xi32, #tpu.memory_space<vmem>> -> memref<64xi32, #tpu.memory_space<vmem>>
    %dma_start3A_9 = arith.constant 0 : i32
    %dma_start3A_10 = arith.constant 0 : i32
    %dma_start3A_11 = tpu.memref_slice %arg2[%dma_start3A_9, %dma_start3A_10] : memref<1024x256xf32, #tpu.memory_space<hbm>> -> memref<1024x256xf32, #tpu.memory_space<hbm>>
    tpu.enqueue_indirect_dma source(%dma_start3A_11 : memref<1024x256xf32, #tpu.memory_space<hbm>>) target(%arg7 : memref<64x256xf32, #tpu.memory_space<vmem>>) offsets(%dma_start3A_8 : memref<64xi32, #tpu.memory_space<vmem>>) semaphore(%arg11 : memref<!tpu.dma_semaphore, #tpu.memory_space<semaphore_mem>>)
    %dma_wait3A = arith.constant 0 : i32
    %dma_wait3A_12 = tpu.memref_slice %arg5[%dma_wait3A] : memref<512xi32, #tpu.memory_space<vmem>> -> memref<64xi32, #tpu.memory_space<vmem>>
    %dma_wait3A_13 = arith.constant 0 : i32
    %dma_wait3A_14 = arith.constant 0 : i32
    %dma_wait3A_15 = tpu.memref_slice %arg2[%dma_wait3A_13, %dma_wait3A_14] : memref<1024x256xf32, #tpu.memory_space<hbm>> -> memref<1024x256xf32, #tpu.memory_space<hbm>>
    tpu.wait_indirect_dma semaphore(%arg10 : memref<!tpu.dma_semaphore, #tpu.memory_space<semaphore_mem>>) src(%dma_wait3A_15 : memref<1024x256xf32, #tpu.memory_space<hbm>>) dst(%arg6 : memref<64x256xf32, #tpu.memory_space<vmem>>)
    %add3A_16 = arith.constant 0 : i32
    %add3A_17 = arith.addi %mul3A_2, %add3A_16 : i32
    %dma_start3A_18 = arith.constant 0 : i32
    %dma_start3A_19 = tpu.memref_slice %arg4[%add3A_17, %dma_start3A_18] : memref<16384x256xf32, #tpu.memory_space<hbm>> -> memref<64x256xf32, #tpu.memory_space<hbm>>
    %dma_start3A_20 = arith.constant 0 : i32
    %dma_start3A_21 = tpu.memref_slice %arg4[%add3A_17, %dma_start3A_20] : memref<16384x256xf32, #tpu.memory_space<hbm>> -> memref<64x256xf32, #tpu.memory_space<hbm>>
    tpu.enqueue_dma source(%arg6 : memref<64x256xf32, #tpu.memory_space<vmem>>) target(%dma_start3A_21 : memref<64x256xf32, #tpu.memory_space<hbm>>) target_semaphore(%arg14 : memref<!tpu.dma_semaphore, #tpu.memory_space<semaphore_mem>>)
    %dma_start3A_22 = arith.constant 128 : i32
    %dma_start3A_23 = tpu.memref_slice %arg5[%dma_start3A_22] : memref<512xi32, #tpu.memory_space<vmem>> -> memref<64xi32, #tpu.memory_space<vmem>>
    %dma_start3A_24 = arith.constant 0 : i32
    %dma_start3A_25 = arith.constant 0 : i32
    %dma_start3A_26 = tpu.memref_slice %arg2[%dma_start3A_24, %dma_start3A_25] : memref<1024x256xf32, #tpu.memory_space<hbm>> -> memref<1024x256xf32, #tpu.memory_space<hbm>>
    tpu.enqueue_indirect_dma source(%dma_start3A_26 : memref<1024x256xf32, #tpu.memory_space<hbm>>) target(%arg8 : memref<64x256xf32, #tpu.memory_space<vmem>>) offsets(%dma_start3A_23 : memref<64xi32, #tpu.memory_space<vmem>>) semaphore(%arg12 : memref<!tpu.dma_semaphore, #tpu.memory_space<semaphore_mem>>)
    %dma_wait3A_27 = arith.constant 64 : i32
    %dma_wait3A_28 = tpu.memref_slice %arg5[%dma_wait3A_27] : memref<512xi32, #tpu.memory_space<vmem>> -> memref<64xi32, #tpu.memory_space<vmem>>
    %dma_wait3A_29 = arith.constant 0 : i32
    %dma_wait3A_30 = arith.constant 0 : i32
    %dma_wait3A_31 = tpu.memref_slice %arg2[%dma_wait3A_29, %dma_wait3A_30] : memref<1024x256xf32, #tpu.memory_space<hbm>> -> memref<1024x256xf32, #tpu.memory_space<hbm>>
    tpu.wait_indirect_dma semaphore(%arg11 : memref<!tpu.dma_semaphore, #tpu.memory_space<semaphore_mem>>) src(%dma_wait3A_31 : memref<1024x256xf32, #tpu.memory_space<hbm>>) dst(%arg7 : memref<64x256xf32, #tpu.memory_space<vmem>>)
    %add3A_32 = arith.constant 64 : i32
    %add3A_33 = arith.addi %mul3A_2, %add3A_32 : i32
    %dma_start3A_34 = arith.constant 0 : i32
    %dma_start3A_35 = tpu.memref_slice %arg4[%add3A_33, %dma_start3A_34] : memref<16384x256xf32, #tpu.memory_space<hbm>> -> memref<64x256xf32, #tpu.memory_space<hbm>>
    %dma_start3A_36 = arith.constant 0 : i32
    %dma_start3A_37 = tpu.memref_slice %arg4[%add3A_33, %dma_start3A_36] : memref<16384x256xf32, #tpu.memory_space<hbm>> -> memref<64x256xf32, #tpu.memory_space<hbm>>
    tpu.enqueue_dma source(%arg7 : memref<64x256xf32, #tpu.memory_space<vmem>>) target(%dma_start3A_37 : memref<64x256xf32, #tpu.memory_space<hbm>>) target_semaphore(%arg15 : memref<!tpu.dma_semaphore, #tpu.memory_space<semaphore_mem>>)
    %dma_start3A_38 = arith.constant 192 : i32
    %dma_start3A_39 = tpu.memref_slice %arg5[%dma_start3A_38] : memref<512xi32, #tpu.memory_space<vmem>> -> memref<64xi32, #tpu.memory_space<vmem>>
    %dma_start3A_40 = arith.constant 0 : i32
    %dma_start3A_41 = arith.constant 0 : i32
    %dma_start3A_42 = tpu.memref_slice %arg2[%dma_start3A_40, %dma_start3A_41] : memref<1024x256xf32, #tpu.memory_space<hbm>> -> memref<1024x256xf32, #tpu.memory_space<hbm>>
    tpu.enqueue_indirect_dma source(%dma_start3A_42 : memref<1024x256xf32, #tpu.memory_space<hbm>>) target(%arg9 : memref<64x256xf32, #tpu.memory_space<vmem>>) offsets(%dma_start3A_39 : memref<64xi32, #tpu.memory_space<vmem>>) semaphore(%arg13 : memref<!tpu.dma_semaphore, #tpu.memory_space<semaphore_mem>>)
    %dma_wait3A_43 = arith.constant 128 : i32
    %dma_wait3A_44 = tpu.memref_slice %arg5[%dma_wait3A_43] : memref<512xi32, #tpu.memory_space<vmem>> -> memref<64xi32, #tpu.memory_space<vmem>>
    %dma_wait3A_45 = arith.constant 0 : i32
    %dma_wait3A_46 = arith.constant 0 : i32
    %dma_wait3A_47 = tpu.memref_slice %arg2[%dma_wait3A_45, %dma_wait3A_46] : memref<1024x256xf32, #tpu.memory_space<hbm>> -> memref<1024x256xf32, #tpu.memory_space<hbm>>
    tpu.wait_indirect_dma semaphore(%arg12 : memref<!tpu.dma_semaphore, #tpu.memory_space<semaphore_mem>>) src(%dma_wait3A_47 : memref<1024x256xf32, #tpu.memory_space<hbm>>) dst(%arg8 : memref<64x256xf32, #tpu.memory_space<vmem>>)
    %add3A_48 = arith.constant 128 : i32
    %add3A_49 = arith.addi %mul3A_2, %add3A_48 : i32
    %dma_start3A_50 = arith.constant 0 : i32
    %dma_start3A_51 = tpu.memref_slice %arg4[%add3A_49, %dma_start3A_50] : memref<16384x256xf32, #tpu.memory_space<hbm>> -> memref<64x256xf32, #tpu.memory_space<hbm>>
    %dma_start3A_52 = arith.constant 0 : i32
    %dma_start3A_53 = tpu.memref_slice %arg4[%add3A_49, %dma_start3A_52] : memref<16384x256xf32, #tpu.memory_space<hbm>> -> memref<64x256xf32, #tpu.memory_space<hbm>>
    tpu.enqueue_dma source(%arg8 : memref<64x256xf32, #tpu.memory_space<vmem>>) target(%dma_start3A_53 : memref<64x256xf32, #tpu.memory_space<hbm>>) target_semaphore(%arg16 : memref<!tpu.dma_semaphore, #tpu.memory_space<semaphore_mem>>)
    %dma_wait3A_54 = arith.constant 0 : i32
    %dma_wait3A_55 = tpu.memref_slice %arg4[%add3A_17, %dma_wait3A_54] : memref<16384x256xf32, #tpu.memory_space<hbm>> -> memref<64x256xf32, #tpu.memory_space<hbm>>
    %dma_wait3A_56 = arith.constant 0 : i32
    %dma_wait3A_57 = tpu.memref_slice %arg4[%add3A_17, %dma_wait3A_56] : memref<16384x256xf32, #tpu.memory_space<hbm>> -> memref<64x256xf32, #tpu.memory_space<hbm>>
    tpu.wait_dma2 semaphore(%arg14 : memref<!tpu.dma_semaphore, #tpu.memory_space<semaphore_mem>>) src(%arg6 : memref<64x256xf32, #tpu.memory_space<vmem>>) dst(%dma_wait3A_57 : memref<64x256xf32, #tpu.memory_space<hbm>>)
    %dma_start3A_58 = arith.constant 256 : i32
    %dma_start3A_59 = tpu.memref_slice %arg5[%dma_start3A_58] : memref<512xi32, #tpu.memory_space<vmem>> -> memref<64xi32, #tpu.memory_space<vmem>>
    %dma_start3A_60 = arith.constant 0 : i32
    %dma_start3A_61 = arith.constant 0 : i32
    %dma_start3A_62 = tpu.memref_slice %arg2[%dma_start3A_60, %dma_start3A_61] : memref<1024x256xf32, #tpu.memory_space<hbm>> -> memref<1024x256xf32, #tpu.memory_space<hbm>>
    tpu.enqueue_indirect_dma source(%dma_start3A_62 : memref<1024x256xf32, #tpu.memory_space<hbm>>) target(%arg6 : memref<64x256xf32, #tpu.memory_space<vmem>>) offsets(%dma_start3A_59 : memref<64xi32, #tpu.memory_space<vmem>>) semaphore(%arg10 : memref<!tpu.dma_semaphore, #tpu.memory_space<semaphore_mem>>)
    %dma_wait3A_63 = arith.constant 192 : i32
    %dma_wait3A_64 = tpu.memref_slice %arg5[%dma_wait3A_63] : memref<512xi32, #tpu.memory_space<vmem>> -> memref<64xi32, #tpu.memory_space<vmem>>
    %dma_wait3A_65 = arith.constant 0 : i32
    %dma_wait3A_66 = arith.constant 0 : i32
    %dma_wait3A_67 = tpu.memref_slice %arg2[%dma_wait3A_65, %dma_wait3A_66] : memref<1024x256xf32, #tpu.memory_space<hbm>> -> memref<1024x256xf32, #tpu.memory_space<hbm>>
    tpu.wait_indirect_dma semaphore(%arg13 : memref<!tpu.dma_semaphore, #tpu.memory_space<semaphore_mem>>) src(%dma_wait3A_67 : memref<1024x256xf32, #tpu.memory_space<hbm>>) dst(%arg9 : memref<64x256xf32, #tpu.memory_space<vmem>>)
    %add3A_68 = arith.constant 192 : i32
    %add3A_69 = arith.addi %mul3A_2, %add3A_68 : i32
    %dma_start3A_70 = arith.constant 0 : i32
    %dma_start3A_71 = tpu.memref_slice %arg4[%add3A_69, %dma_start3A_70] : memref<16384x256xf32, #tpu.memory_space<hbm>> -> memref<64x256xf32, #tpu.memory_space<hbm>>
    %dma_start3A_72 = arith.constant 0 : i32
    %dma_start3A_73 = tpu.memref_slice %arg4[%add3A_69, %dma_start3A_72] : memref<16384x256xf32, #tpu.memory_space<hbm>> -> memref<64x256xf32, #tpu.memory_space<hbm>>
    tpu.enqueue_dma source(%arg9 : memref<64x256xf32, #tpu.memory_space<vmem>>) target(%dma_start3A_73 : memref<64x256xf32, #tpu.memory_space<hbm>>) target_semaphore(%arg17 : memref<!tpu.dma_semaphore, #tpu.memory_space<semaphore_mem>>)
    %dma_wait3A_74 = arith.constant 0 : i32
    %dma_wait3A_75 = tpu.memref_slice %arg4[%add3A_33, %dma_wait3A_74] : memref<16384x256xf32, #tpu.memory_space<hbm>> -> memref<64x256xf32, #tpu.memory_space<hbm>>
    %dma_wait3A_76 = arith.constant 0 : i32
    %dma_wait3A_77 = tpu.memref_slice %arg4[%add3A_33, %dma_wait3A_76] : memref<16384x256xf32, #tpu.memory_space<hbm>> -> memref<64x256xf32, #tpu.memory_space<hbm>>
    tpu.wait_dma2 semaphore(%arg15 : memref<!tpu.dma_semaphore, #tpu.memory_space<semaphore_mem>>) src(%arg7 : memref<64x256xf32, #tpu.memory_space<vmem>>) dst(%dma_wait3A_77 : memref<64x256xf32, #tpu.memory_space<hbm>>)
    %dma_start3A_78 = arith.constant 320 : i32
    %dma_start3A_79 = tpu.memref_slice %arg5[%dma_start3A_78] : memref<512xi32, #tpu.memory_space<vmem>> -> memref<64xi32, #tpu.memory_space<vmem>>
    %dma_start3A_80 = arith.constant 0 : i32
    %dma_start3A_81 = arith.constant 0 : i32
    %dma_start3A_82 = tpu.memref_slice %arg2[%dma_start3A_80, %dma_start3A_81] : memref<1024x256xf32, #tpu.memory_space<hbm>> -> memref<1024x256xf32, #tpu.memory_space<hbm>>
    tpu.enqueue_indirect_dma source(%dma_start3A_82 : memref<1024x256xf32, #tpu.memory_space<hbm>>) target(%arg7 : memref<64x256xf32, #tpu.memory_space<vmem>>) offsets(%dma_start3A_79 : memref<64xi32, #tpu.memory_space<vmem>>) semaphore(%arg11 : memref<!tpu.dma_semaphore, #tpu.memory_space<semaphore_mem>>)
    %dma_wait3A_83 = arith.constant 256 : i32
    %dma_wait3A_84 = tpu.memref_slice %arg5[%dma_wait3A_83] : memref<512xi32, #tpu.memory_space<vmem>> -> memref<64xi32, #tpu.memory_space<vmem>>
    %dma_wait3A_85 = arith.constant 0 : i32
    %dma_wait3A_86 = arith.constant 0 : i32
    %dma_wait3A_87 = tpu.memref_slice %arg2[%dma_wait3A_85, %dma_wait3A_86] : memref<1024x256xf32, #tpu.memory_space<hbm>> -> memref<1024x256xf32, #tpu.memory_space<hbm>>
    tpu.wait_indirect_dma semaphore(%arg10 : memref<!tpu.dma_semaphore, #tpu.memory_space<semaphore_mem>>) src(%dma_wait3A_87 : memref<1024x256xf32, #tpu.memory_space<hbm>>) dst(%arg6 : memref<64x256xf32, #tpu.memory_space<vmem>>)
    %add3A_88 = arith.constant 256 : i32
    %add3A_89 = arith.addi %mul3A_2, %add3A_88 : i32
    %dma_start3A_90 = arith.constant 0 : i32
    %dma_start3A_91 = tpu.memref_slice %arg4[%add3A_89, %dma_start3A_90] : memref<16384x256xf32, #tpu.memory_space<hbm>> -> memref<64x256xf32, #tpu.memory_space<hbm>>
    %dma_start3A_92 = arith.constant 0 : i32
    %dma_start3A_93 = tpu.memref_slice %arg4[%add3A_89, %dma_start3A_92] : memref<16384x256xf32, #tpu.memory_space<hbm>> -> memref<64x256xf32, #tpu.memory_space<hbm>>
    tpu.enqueue_dma source(%arg6 : memref<64x256xf32, #tpu.memory_space<vmem>>) target(%dma_start3A_93 : memref<64x256xf32, #tpu.memory_space<hbm>>) target_semaphore(%arg14 : memref<!tpu.dma_semaphore, #tpu.memory_space<semaphore_mem>>)
    %dma_wait3A_94 = arith.constant 0 : i32
    %dma_wait3A_95 = tpu.memref_slice %arg4[%add3A_49, %dma_wait3A_94] : memref<16384x256xf32, #tpu.memory_space<hbm>> -> memref<64x256xf32, #tpu.memory_space<hbm>>
    %dma_wait3A_96 = arith.constant 0 : i32
    %dma_wait3A_97 = tpu.memref_slice %arg4[%add3A_49, %dma_wait3A_96] : memref<16384x256xf32, #tpu.memory_space<hbm>> -> memref<64x256xf32, #tpu.memory_space<hbm>>
    tpu.wait_dma2 semaphore(%arg16 : memref<!tpu.dma_semaphore, #tpu.memory_space<semaphore_mem>>) src(%arg8 : memref<64x256xf32, #tpu.memory_space<vmem>>) dst(%dma_wait3A_97 : memref<64x256xf32, #tpu.memory_space<hbm>>)
    %dma_start3A_98 = arith.constant 384 : i32
    %dma_start3A_99 = tpu.memref_slice %arg5[%dma_start3A_98] : memref<512xi32, #tpu.memory_space<vmem>> -> memref<64xi32, #tpu.memory_space<vmem>>
    %dma_start3A_100 = arith.constant 0 : i32
    %dma_start3A_101 = arith.constant 0 : i32
    %dma_start3A_102 = tpu.memref_slice %arg2[%dma_start3A_100, %dma_start3A_101] : memref<1024x256xf32, #tpu.memory_space<hbm>> -> memref<1024x256xf32, #tpu.memory_space<hbm>>
    tpu.enqueue_indirect_dma source(%dma_start3A_102 : memref<1024x256xf32, #tpu.memory_space<hbm>>) target(%arg8 : memref<64x256xf32, #tpu.memory_space<vmem>>) offsets(%dma_start3A_99 : memref<64xi32, #tpu.memory_space<vmem>>) semaphore(%arg12 : memref<!tpu.dma_semaphore, #tpu.memory_space<semaphore_mem>>)
    %dma_wait3A_103 = arith.constant 320 : i32
    %dma_wait3A_104 = tpu.memref_slice %arg5[%dma_wait3A_103] : memref<512xi32, #tpu.memory_space<vmem>> -> memref<64xi32, #tpu.memory_space<vmem>>
    %dma_wait3A_105 = arith.constant 0 : i32
    %dma_wait3A_106 = arith.constant 0 : i32
    %dma_wait3A_107 = tpu.memref_slice %arg2[%dma_wait3A_105, %dma_wait3A_106] : memref<1024x256xf32, #tpu.memory_space<hbm>> -> memref<1024x256xf32, #tpu.memory_space<hbm>>
    tpu.wait_indirect_dma semaphore(%arg11 : memref<!tpu.dma_semaphore, #tpu.memory_space<semaphore_mem>>) src(%dma_wait3A_107 : memref<1024x256xf32, #tpu.memory_space<hbm>>) dst(%arg7 : memref<64x256xf32, #tpu.memory_space<vmem>>)
    %add3A_108 = arith.constant 320 : i32
    %add3A_109 = arith.addi %mul3A_2, %add3A_108 : i32
    %dma_start3A_110 = arith.constant 0 : i32
    %dma_start3A_111 = tpu.memref_slice %arg4[%add3A_109, %dma_start3A_110] : memref<16384x256xf32, #tpu.memory_space<hbm>> -> memref<64x256xf32, #tpu.memory_space<hbm>>
    %dma_start3A_112 = arith.constant 0 : i32
    %dma_start3A_113 = tpu.memref_slice %arg4[%add3A_109, %dma_start3A_112] : memref<16384x256xf32, #tpu.memory_space<hbm>> -> memref<64x256xf32, #tpu.memory_space<hbm>>
    tpu.enqueue_dma source(%arg7 : memref<64x256xf32, #tpu.memory_space<vmem>>) target(%dma_start3A_113 : memref<64x256xf32, #tpu.memory_space<hbm>>) target_semaphore(%arg15 : memref<!tpu.dma_semaphore, #tpu.memory_space<semaphore_mem>>)
    %dma_wait3A_114 = arith.constant 0 : i32
    %dma_wait3A_115 = tpu.memref_slice %arg4[%add3A_69, %dma_wait3A_114] : memref<16384x256xf32, #tpu.memory_space<hbm>> -> memref<64x256xf32, #tpu.memory_space<hbm>>
    %dma_wait3A_116 = arith.constant 0 : i32
    %dma_wait3A_117 = tpu.memref_slice %arg4[%add3A_69, %dma_wait3A_116] : memref<16384x256xf32, #tpu.memory_space<hbm>> -> memref<64x256xf32, #tpu.memory_space<hbm>>
    tpu.wait_dma2 semaphore(%arg17 : memref<!tpu.dma_semaphore, #tpu.memory_space<semaphore_mem>>) src(%arg9 : memref<64x256xf32, #tpu.memory_space<vmem>>) dst(%dma_wait3A_117 : memref<64x256xf32, #tpu.memory_space<hbm>>)
    %dma_start3A_118 = arith.constant 448 : i32
    %dma_start3A_119 = tpu.memref_slice %arg5[%dma_start3A_118] : memref<512xi32, #tpu.memory_space<vmem>> -> memref<64xi32, #tpu.memory_space<vmem>>
    %dma_start3A_120 = arith.constant 0 : i32
    %dma_start3A_121 = arith.constant 0 : i32
    %dma_start3A_122 = tpu.memref_slice %arg2[%dma_start3A_120, %dma_start3A_121] : memref<1024x256xf32, #tpu.memory_space<hbm>> -> memref<1024x256xf32, #tpu.memory_space<hbm>>
    tpu.enqueue_indirect_dma source(%dma_start3A_122 : memref<1024x256xf32, #tpu.memory_space<hbm>>) target(%arg9 : memref<64x256xf32, #tpu.memory_space<vmem>>) offsets(%dma_start3A_119 : memref<64xi32, #tpu.memory_space<vmem>>) semaphore(%arg13 : memref<!tpu.dma_semaphore, #tpu.memory_space<semaphore_mem>>)
    %dma_wait3A_123 = arith.constant 384 : i32
    %dma_wait3A_124 = tpu.memref_slice %arg5[%dma_wait3A_123] : memref<512xi32, #tpu.memory_space<vmem>> -> memref<64xi32, #tpu.memory_space<vmem>>
    %dma_wait3A_125 = arith.constant 0 : i32
    %dma_wait3A_126 = arith.constant 0 : i32
    %dma_wait3A_127 = tpu.memref_slice %arg2[%dma_wait3A_125, %dma_wait3A_126] : memref<1024x256xf32, #tpu.memory_space<hbm>> -> memref<1024x256xf32, #tpu.memory_space<hbm>>
    tpu.wait_indirect_dma semaphore(%arg12 : memref<!tpu.dma_semaphore, #tpu.memory_space<semaphore_mem>>) src(%dma_wait3A_127 : memref<1024x256xf32, #tpu.memory_space<hbm>>) dst(%arg8 : memref<64x256xf32, #tpu.memory_space<vmem>>)
    %add3A_128 = arith.constant 384 : i32
    %add3A_129 = arith.addi %mul3A_2, %add3A_128 : i32
    %dma_start3A_130 = arith.constant 0 : i32
    %dma_start3A_131 = tpu.memref_slice %arg4[%add3A_129, %dma_start3A_130] : memref<16384x256xf32, #tpu.memory_space<hbm>> -> memref<64x256xf32, #tpu.memory_space<hbm>>
    %dma_start3A_132 = arith.constant 0 : i32
    %dma_start3A_133 = tpu.memref_slice %arg4[%add3A_129, %dma_start3A_132] : memref<16384x256xf32, #tpu.memory_space<hbm>> -> memref<64x256xf32, #tpu.memory_space<hbm>>
    tpu.enqueue_dma source(%arg8 : memref<64x256xf32, #tpu.memory_space<vmem>>) target(%dma_start3A_133 : memref<64x256xf32, #tpu.memory_space<hbm>>) target_semaphore(%arg16 : memref<!tpu.dma_semaphore, #tpu.memory_space<semaphore_mem>>)
    %dma_wait3A_134 = arith.constant 448 : i32
    %dma_wait3A_135 = tpu.memref_slice %arg5[%dma_wait3A_134] : memref<512xi32, #tpu.memory_space<vmem>> -> memref<64xi32, #tpu.memory_space<vmem>>
    %dma_wait3A_136 = arith.constant 0 : i32
    %dma_wait3A_137 = arith.constant 0 : i32
    %dma_wait3A_138 = tpu.memref_slice %arg2[%dma_wait3A_136, %dma_wait3A_137] : memref<1024x256xf32, #tpu.memory_space<hbm>> -> memref<1024x256xf32, #tpu.memory_space<hbm>>
    tpu.wait_indirect_dma semaphore(%arg13 : memref<!tpu.dma_semaphore, #tpu.memory_space<semaphore_mem>>) src(%dma_wait3A_138 : memref<1024x256xf32, #tpu.memory_space<hbm>>) dst(%arg9 : memref<64x256xf32, #tpu.memory_space<vmem>>)
    %add3A_139 = arith.constant 448 : i32
    %add3A_140 = arith.addi %mul3A_2, %add3A_139 : i32
    %dma_start3A_141 = arith.constant 0 : i32
    %dma_start3A_142 = tpu.memref_slice %arg4[%add3A_140, %dma_start3A_141] : memref<16384x256xf32, #tpu.memory_space<hbm>> -> memref<64x256xf32, #tpu.memory_space<hbm>>
    %dma_start3A_143 = arith.constant 0 : i32
    %dma_start3A_144 = tpu.memref_slice %arg4[%add3A_140, %dma_start3A_143] : memref<16384x256xf32, #tpu.memory_space<hbm>> -> memref<64x256xf32, #tpu.memory_space<hbm>>
    tpu.enqueue_dma source(%arg9 : memref<64x256xf32, #tpu.memory_space<vmem>>) target(%dma_start3A_144 : memref<64x256xf32, #tpu.memory_space<hbm>>) target_semaphore(%arg17 : memref<!tpu.dma_semaphore, #tpu.memory_space<semaphore_mem>>)
    %dma_wait3A_145 = arith.constant 0 : i32
    %dma_wait3A_146 = tpu.memref_slice %arg4[%add3A_89, %dma_wait3A_145] : memref<16384x256xf32, #tpu.memory_space<hbm>> -> memref<64x256xf32, #tpu.memory_space<hbm>>
    %dma_wait3A_147 = arith.constant 0 : i32
    %dma_wait3A_148 = tpu.memref_slice %arg4[%add3A_89, %dma_wait3A_147] : memref<16384x256xf32, #tpu.memory_space<hbm>> -> memref<64x256xf32, #tpu.memory_space<hbm>>
    tpu.wait_dma2 semaphore(%arg14 : memref<!tpu.dma_semaphore, #tpu.memory_space<semaphore_mem>>) src(%arg6 : memref<64x256xf32, #tpu.memory_space<vmem>>) dst(%dma_wait3A_148 : memref<64x256xf32, #tpu.memory_space<hbm>>)
    %dma_wait3A_149 = arith.constant 0 : i32
    %dma_wait3A_150 = tpu.memref_slice %arg4[%add3A_109, %dma_wait3A_149] : memref<16384x256xf32, #tpu.memory_space<hbm>> -> memref<64x256xf32, #tpu.memory_space<hbm>>
    %dma_wait3A_151 = arith.constant 0 : i32
    %dma_wait3A_152 = tpu.memref_slice %arg4[%add3A_109, %dma_wait3A_151] : memref<16384x256xf32, #tpu.memory_space<hbm>> -> memref<64x256xf32, #tpu.memory_space<hbm>>
    tpu.wait_dma2 semaphore(%arg15 : memref<!tpu.dma_semaphore, #tpu.memory_space<semaphore_mem>>) src(%arg7 : memref<64x256xf32, #tpu.memory_space<vmem>>) dst(%dma_wait3A_152 : memref<64x256xf32, #tpu.memory_space<hbm>>)
    %dma_wait3A_153 = arith.constant 0 : i32
    %dma_wait3A_154 = tpu.memref_slice %arg4[%add3A_129, %dma_wait3A_153] : memref<16384x256xf32, #tpu.memory_space<hbm>> -> memref<64x256xf32, #tpu.memory_space<hbm>>
    %dma_wait3A_155 = arith.constant 0 : i32
    %dma_wait3A_156 = tpu.memref_slice %arg4[%add3A_129, %dma_wait3A_155] : memref<16384x256xf32, #tpu.memory_space<hbm>> -> memref<64x256xf32, #tpu.memory_space<hbm>>
    tpu.wait_dma2 semaphore(%arg16 : memref<!tpu.dma_semaphore, #tpu.memory_space<semaphore_mem>>) src(%arg8 : memref<64x256xf32, #tpu.memory_space<vmem>>) dst(%dma_wait3A_156 : memref<64x256xf32, #tpu.memory_space<hbm>>)
    %dma_wait3A_157 = arith.constant 0 : i32
    %dma_wait3A_158 = tpu.memref_slice %arg4[%add3A_140, %dma_wait3A_157] : memref<16384x256xf32, #tpu.memory_space<hbm>> -> memref<64x256xf32, #tpu.memory_space<hbm>>
    %dma_wait3A_159 = arith.constant 0 : i32
    %dma_wait3A_160 = tpu.memref_slice %arg4[%add3A_140, %dma_wait3A_159] : memref<16384x256xf32, #tpu.memory_space<hbm>> -> memref<64x256xf32, #tpu.memory_space<hbm>>
    tpu.wait_dma2 semaphore(%arg17 : memref<!tpu.dma_semaphore, #tpu.memory_space<semaphore_mem>>) src(%arg9 : memref<64x256xf32, #tpu.memory_space<vmem>>) dst(%dma_wait3A_160 : memref<64x256xf32, #tpu.memory_space<hbm>>)
    return
  }
}

module attributes {stable_mosaic.version = 14 : i64} {
  func.func @_wt_body(%arg0: memref<256x1024xf32, #tpu.memory_space<vmem>>, %arg1: memref<1024x256xf32, #tpu.memory_space<vmem>>) attributes {dimension_semantics = [], scalar_prefetch = 0 : i64, scratch_operands = 0 : i64, tpu.core_type = #tpu.core_type<tc>} {
    %get3A = arith.constant 0 : index
    %get3A_0 = arith.constant 0 : index
    %get3A_1 = vector.load %arg0[%get3A, %get3A_0] : memref<256x1024xf32, #tpu.memory_space<vmem>>, vector<256x1024xf32>
    %transpose3A = tpu.transpose %get3A_1, [1, 0] : vector<256x1024xf32> -> vector<1024x256xf32>
    %swap3A = arith.constant 0 : index
    %swap3A_2 = arith.constant 0 : index
    %swap3A_3 = vector.load %arg1[%swap3A, %swap3A_2] : memref<1024x256xf32, #tpu.memory_space<vmem>>, vector<1024x256xf32>
    tpu.vector_store %arg1[%swap3A, %swap3A_2], %transpose3A {strides = array<i32>} : memref<1024x256xf32, #tpu.memory_space<vmem>>, vector<1024x256xf32>,
    return
  }
}

module attributes {stable_mosaic.version = 14 : i64} {
  func.func @_argmin_body(%arg0: i32, %arg1: memref<4x256x1024xf32, #tpu.memory_space<vmem>>, %arg2: memref<1024x256xf32, #tpu.memory_space<vmem>>, %arg3: memref<4x1x1024xi32, #tpu.memory_space<vmem>>) attributes {dimension_semantics = [#tpu.dimension_semantics<arbitrary>], iteration_bounds = array<i64: 4>, scalar_prefetch = 0 : i64, scratch_operands = 0 : i64, tpu.core_type = #tpu.core_type<tc>, window_params = [{transform_indices = @transform_0, window_bounds = array<i64: 4, 256, 1024>}, {pipeline_mode = #tpu.pipeline_mode<synchronous>, transform_indices = @transform_1, window_bounds = array<i64: 1024, 256>}, {transform_indices = @transform_2, window_bounds = array<i64: 4, 1, 1024>}]} {
    %get3A = arith.constant 0 : index
    %get3A_0 = arith.constant 0 : index
    %get3A_1 = vector.load %arg2[%get3A, %get3A_0] : memref<1024x256xf32, #tpu.memory_space<vmem>>, vector<1024x256xf32>
    %mul3A = arith.mulf %get3A_1, %get3A_1 : vector<1024x256xf32>
    %reduce_sum3A = arith.constant dense<0.000000e+00> : vector<1024xf32>
    %reduce_sum3A_2 = vector.multi_reduction <add>, %mul3A, %reduce_sum3A [1] : vector<1024x256xf32> to vector<1024xf32>
    %get3A_3 = arith.constant 0 : index
    %get3A_4 = arith.constant 0 : index
    %get3A_5 = arith.constant 0 : index
    %get3A_6 = vector.load %arg1[%get3A_3, %get3A_4, %get3A_5] : memref<4x256x1024xf32, #tpu.memory_space<vmem>>, vector<1x256x1024xf32>
    %get3A_7 = vector.shape_cast %get3A_6 : vector<1x256x1024xf32> to vector<256x1024xf32>
    %dot_general3A = arith.constant dense<0.000000e+00> : vector<1024x1024xf32>
    %dot_general3A_8 = tpu.matmul %get3A_1, %get3A_7, %dot_general3A {dimension_numbers = #tpu.dot_dimension_numbers<[1], [0], [0], [1], [0, 0, 1, 1], [], []>, transpose_lhs_hint = false} : vector<1024x256xf32>, vector<256x1024xf32>, vector<1024x1024xf32> -> vector<1024x1024xf32>
    %mul3A_9 = arith.mulf %get3A_7, %get3A_7 : vector<256x1024xf32>
    %reduce_sum3A_10 = arith.constant dense<0.000000e+00> : vector<1024xf32>
    %reduce_sum3A_11 = vector.multi_reduction <add>, %mul3A_9, %reduce_sum3A_10 [0] : vector<256x1024xf32> to vector<1024xf32>
    %broadcast_in_dim3A = vector.shape_cast %reduce_sum3A_11 : vector<1024xf32> to vector<1x1024xf32>
    %mul3A_12 = arith.constant 2.000000e+00 : f32
    %mul3A_13 = vector.broadcast %mul3A_12 : f32 to vector<1024x1024xf32>
    %mul3A_14 = arith.mulf %mul3A_13, %dot_general3A_8 : vector<1024x1024xf32>
    %sub3A = vector.broadcast %broadcast_in_dim3A : vector<1x1024xf32> to vector<1024x1024xf32>
    %sub3A_15 = arith.subf %sub3A, %mul3A_14 : vector<1024x1024xf32>
    %broadcast_in_dim3A_16 = vector.shape_cast %reduce_sum3A_2 : vector<1024xf32> to vector<1024x1xf32>
    %add3A = vector.broadcast %broadcast_in_dim3A_16 : vector<1024x1xf32> to vector<1024x1024xf32>
    %add3A_17 = arith.addf %sub3A_15, %add3A : vector<1024x1024xf32>
    %reduce_min3A = arith.constant dense<0x7F800000> : vector<1024xf32>
    %reduce_min3A_18 = vector.multi_reduction <minimumf>, %add3A_17, %reduce_min3A [0] : vector<1024x1024xf32> to vector<1024xf32>
    %broadcast_in_dim3A_19 = vector.shape_cast %reduce_min3A_18 : vector<1024xf32> to vector<1x1024xf32>
    %iota3A = tpu.iota {dimensions = array<i32: 0>} : vector<1024x1024xi32>
    %eq3A = vector.broadcast %broadcast_in_dim3A_19 : vector<1x1024xf32> to vector<1024x1024xf32>
    %eq3A_20 = arith.cmpf oeq, %add3A_17, %eq3A : vector<1024x1024xf32>
    %jit3A = arith.constant 1024 : i32
    %broadcast_in_dim3A_21 = vector.broadcast %jit3A : i32 to vector<1024x1024xi32>
    %select_n3A = arith.select %eq3A_20, %iota3A, %broadcast_in_dim3A_21 : vector<1024x1024xi1>, vector<1024x1024xi32>
    %reduce_min3A_22 = arith.constant dense<2147483647> : vector<1024xi32>
    %reduce_min3A_23 = vector.multi_reduction <minsi>, %select_n3A, %reduce_min3A_22 [0] : vector<1024x1024xi32> to vector<1024xi32>
    %swap3A = arith.constant 0 : index
    %swap3A_24 = arith.constant 0 : index
    %swap3A_25 = arith.constant 0 : index
    %swap3A_26 = vector.load %arg3[%swap3A, %swap3A_24, %swap3A_25] : memref<4x1x1024xi32, #tpu.memory_space<vmem>>, vector<1x1x1024xi32>
    %swap3A_27 = vector.shape_cast %swap3A_26 : vector<1x1x1024xi32> to vector<1024xi32>
    %swap3A_28 = vector.shape_cast %reduce_min3A_23 : vector<1024xi32> to vector<1x1x1024xi32>
    tpu.vector_store %arg3[%swap3A, %swap3A_24, %swap3A_25], %swap3A_28 {strides = array<i32>} : memref<4x1x1024xi32, #tpu.memory_space<vmem>>, vector<1x1x1024xi32>,
    %get3A_29 = arith.constant 1 : index
    %get3A_30 = arith.constant 0 : index
    %get3A_31 = arith.constant 0 : index
    %get3A_32 = vector.load %arg1[%get3A_29, %get3A_30, %get3A_31] : memref<4x256x1024xf32, #tpu.memory_space<vmem>>, vector<1x256x1024xf32>
    %get3A_33 = vector.shape_cast %get3A_32 : vector<1x256x1024xf32> to vector<256x1024xf32>
    %dot_general3A_34 = arith.constant dense<0.000000e+00> : vector<1024x1024xf32>
    %dot_general3A_35 = tpu.matmul %get3A_1, %get3A_33, %dot_general3A_34 {dimension_numbers = #tpu.dot_dimension_numbers<[1], [0], [0], [1], [0, 0, 1, 1], [], []>, transpose_lhs_hint = false} : vector<1024x256xf32>, vector<256x1024xf32>, vector<1024x1024xf32> -> vector<1024x1024xf32>
    %mul3A_36 = arith.mulf %get3A_33, %get3A_33 : vector<256x1024xf32>
    %reduce_sum3A_37 = arith.constant dense<0.000000e+00> : vector<1024xf32>
    %reduce_sum3A_38 = vector.multi_reduction <add>, %mul3A_36, %reduce_sum3A_37 [0] : vector<256x1024xf32> to vector<1024xf32>
    %broadcast_in_dim3A_39 = vector.shape_cast %reduce_sum3A_38 : vector<1024xf32> to vector<1x1024xf32>
    %mul3A_40 = arith.constant 2.000000e+00 : f32
    %mul3A_41 = vector.broadcast %mul3A_40 : f32 to vector<1024x1024xf32>
    %mul3A_42 = arith.mulf %mul3A_41, %dot_general3A_35 : vector<1024x1024xf32>
    %sub3A_43 = vector.broadcast %broadcast_in_dim3A_39 : vector<1x1024xf32> to vector<1024x1024xf32>
    %sub3A_44 = arith.subf %sub3A_43, %mul3A_42 : vector<1024x1024xf32>
    %broadcast_in_dim3A_45 = vector.shape_cast %reduce_sum3A_2 : vector<1024xf32> to vector<1024x1xf32>
    %add3A_46 = vector.broadcast %broadcast_in_dim3A_45 : vector<1024x1xf32> to vector<1024x1024xf32>
    %add3A_47 = arith.addf %sub3A_44, %add3A_46 : vector<1024x1024xf32>
    %reduce_min3A_48 = arith.constant dense<0x7F800000> : vector<1024xf32>
    %reduce_min3A_49 = vector.multi_reduction <minimumf>, %add3A_47, %reduce_min3A_48 [0] : vector<1024x1024xf32> to vector<1024xf32>
    %broadcast_in_dim3A_50 = vector.shape_cast %reduce_min3A_49 : vector<1024xf32> to vector<1x1024xf32>
    %iota3A_51 = tpu.iota {dimensions = array<i32: 0>} : vector<1024x1024xi32>
    %eq3A_52 = vector.broadcast %broadcast_in_dim3A_50 : vector<1x1024xf32> to vector<1024x1024xf32>
    %eq3A_53 = arith.cmpf oeq, %add3A_47, %eq3A_52 : vector<1024x1024xf32>
    %jit3A_54 = arith.constant 1024 : i32
    %broadcast_in_dim3A_55 = vector.broadcast %jit3A_54 : i32 to vector<1024x1024xi32>
    %select_n3A_56 = arith.select %eq3A_53, %iota3A_51, %broadcast_in_dim3A_55 : vector<1024x1024xi1>, vector<1024x1024xi32>
    %reduce_min3A_57 = arith.constant dense<2147483647> : vector<1024xi32>
    %reduce_min3A_58 = vector.multi_reduction <minsi>, %select_n3A_56, %reduce_min3A_57 [0] : vector<1024x1024xi32> to vector<1024xi32>
    %swap3A_59 = arith.constant 1 : index
    %swap3A_60 = arith.constant 0 : index
    %swap3A_61 = arith.constant 0 : index
    %swap3A_62 = vector.load %arg3[%swap3A_59, %swap3A_60, %swap3A_61] : memref<4x1x1024xi32, #tpu.memory_space<vmem>>, vector<1x1x1024xi32>
    %swap3A_63 = vector.shape_cast %swap3A_62 : vector<1x1x1024xi32> to vector<1024xi32>
    %swap3A_64 = vector.shape_cast %reduce_min3A_58 : vector<1024xi32> to vector<1x1x1024xi32>
    tpu.vector_store %arg3[%swap3A_59, %swap3A_60, %swap3A_61], %swap3A_64 {strides = array<i32>} : memref<4x1x1024xi32, #tpu.memory_space<vmem>>, vector<1x1x1024xi32>,
    %get3A_65 = arith.constant 2 : index
    %get3A_66 = arith.constant 0 : index
    %get3A_67 = arith.constant 0 : index
    %get3A_68 = vector.load %arg1[%get3A_65, %get3A_66, %get3A_67] : memref<4x256x1024xf32, #tpu.memory_space<vmem>>, vector<1x256x1024xf32>
    %get3A_69 = vector.shape_cast %get3A_68 : vector<1x256x1024xf32> to vector<256x1024xf32>
    %dot_general3A_70 = arith.constant dense<0.000000e+00> : vector<1024x1024xf32>
    %dot_general3A_71 = tpu.matmul %get3A_1, %get3A_69, %dot_general3A_70 {dimension_numbers = #tpu.dot_dimension_numbers<[1], [0], [0], [1], [0, 0, 1, 1], [], []>, transpose_lhs_hint = false} : vector<1024x256xf32>, vector<256x1024xf32>, vector<1024x1024xf32> -> vector<1024x1024xf32>
    %mul3A_72 = arith.mulf %get3A_69, %get3A_69 : vector<256x1024xf32>
    %reduce_sum3A_73 = arith.constant dense<0.000000e+00> : vector<1024xf32>
    %reduce_sum3A_74 = vector.multi_reduction <add>, %mul3A_72, %reduce_sum3A_73 [0] : vector<256x1024xf32> to vector<1024xf32>
    %broadcast_in_dim3A_75 = vector.shape_cast %reduce_sum3A_74 : vector<1024xf32> to vector<1x1024xf32>
    %mul3A_76 = arith.constant 2.000000e+00 : f32
    %mul3A_77 = vector.broadcast %mul3A_76 : f32 to vector<1024x1024xf32>
    %mul3A_78 = arith.mulf %mul3A_77, %dot_general3A_71 : vector<1024x1024xf32>
    %sub3A_79 = vector.broadcast %broadcast_in_dim3A_75 : vector<1x1024xf32> to vector<1024x1024xf32>
    %sub3A_80 = arith.subf %sub3A_79, %mul3A_78 : vector<1024x1024xf32>
    %broadcast_in_dim3A_81 = vector.shape_cast %reduce_sum3A_2 : vector<1024xf32> to vector<1024x1xf32>
    %add3A_82 = vector.broadcast %broadcast_in_dim3A_81 : vector<1024x1xf32> to vector<1024x1024xf32>
    %add3A_83 = arith.addf %sub3A_80, %add3A_82 : vector<1024x1024xf32>
    %reduce_min3A_84 = arith.constant dense<0x7F800000> : vector<1024xf32>
    %reduce_min3A_85 = vector.multi_reduction <minimumf>, %add3A_83, %reduce_min3A_84 [0] : vector<1024x1024xf32> to vector<1024xf32>
    %broadcast_in_dim3A_86 = vector.shape_cast %reduce_min3A_85 : vector<1024xf32> to vector<1x1024xf32>
    %iota3A_87 = tpu.iota {dimensions = array<i32: 0>} : vector<1024x1024xi32>
    %eq3A_88 = vector.broadcast %broadcast_in_dim3A_86 : vector<1x1024xf32> to vector<1024x1024xf32>
    %eq3A_89 = arith.cmpf oeq, %add3A_83, %eq3A_88 : vector<1024x1024xf32>
    %jit3A_90 = arith.constant 1024 : i32
    %broadcast_in_dim3A_91 = vector.broadcast %jit3A_90 : i32 to vector<1024x1024xi32>
    %select_n3A_92 = arith.select %eq3A_89, %iota3A_87, %broadcast_in_dim3A_91 : vector<1024x1024xi1>, vector<1024x1024xi32>
    %reduce_min3A_93 = arith.constant dense<2147483647> : vector<1024xi32>
    %reduce_min3A_94 = vector.multi_reduction <minsi>, %select_n3A_92, %reduce_min3A_93 [0] : vector<1024x1024xi32> to vector<1024xi32>
    %swap3A_95 = arith.constant 2 : index
    %swap3A_96 = arith.constant 0 : index
    %swap3A_97 = arith.constant 0 : index
    %swap3A_98 = vector.load %arg3[%swap3A_95, %swap3A_96, %swap3A_97] : memref<4x1x1024xi32, #tpu.memory_space<vmem>>, vector<1x1x1024xi32>
    %swap3A_99 = vector.shape_cast %swap3A_98 : vector<1x1x1024xi32> to vector<1024xi32>
    %swap3A_100 = vector.shape_cast %reduce_min3A_94 : vector<1024xi32> to vector<1x1x1024xi32>
    tpu.vector_store %arg3[%swap3A_95, %swap3A_96, %swap3A_97], %swap3A_100 {strides = array<i32>} : memref<4x1x1024xi32, #tpu.memory_space<vmem>>, vector<1x1x1024xi32>,
    %get3A_101 = arith.constant 3 : index
    %get3A_102 = arith.constant 0 : index
    %get3A_103 = arith.constant 0 : index
    %get3A_104 = vector.load %arg1[%get3A_101, %get3A_102, %get3A_103] : memref<4x256x1024xf32, #tpu.memory_space<vmem>>, vector<1x256x1024xf32>
    %get3A_105 = vector.shape_cast %get3A_104 : vector<1x256x1024xf32> to vector<256x1024xf32>
    %dot_general3A_106 = arith.constant dense<0.000000e+00> : vector<1024x1024xf32>
    %dot_general3A_107 = tpu.matmul %get3A_1, %get3A_105, %dot_general3A_106 {dimension_numbers = #tpu.dot_dimension_numbers<[1], [0], [0], [1], [0, 0, 1, 1], [], []>, transpose_lhs_hint = false} : vector<1024x256xf32>, vector<256x1024xf32>, vector<1024x1024xf32> -> vector<1024x1024xf32>
    %mul3A_108 = arith.mulf %get3A_105, %get3A_105 : vector<256x1024xf32>
    %reduce_sum3A_109 = arith.constant dense<0.000000e+00> : vector<1024xf32>
    %reduce_sum3A_110 = vector.multi_reduction <add>, %mul3A_108, %reduce_sum3A_109 [0] : vector<256x1024xf32> to vector<1024xf32>
    %broadcast_in_dim3A_111 = vector.shape_cast %reduce_sum3A_110 : vector<1024xf32> to vector<1x1024xf32>
    %mul3A_112 = arith.constant 2.000000e+00 : f32
    %mul3A_113 = vector.broadcast %mul3A_112 : f32 to vector<1024x1024xf32>
    %mul3A_114 = arith.mulf %mul3A_113, %dot_general3A_107 : vector<1024x1024xf32>
    %sub3A_115 = vector.broadcast %broadcast_in_dim3A_111 : vector<1x1024xf32> to vector<1024x1024xf32>
    %sub3A_116 = arith.subf %sub3A_115, %mul3A_114 : vector<1024x1024xf32>
    %broadcast_in_dim3A_117 = vector.shape_cast %reduce_sum3A_2 : vector<1024xf32> to vector<1024x1xf32>
    %add3A_118 = vector.broadcast %broadcast_in_dim3A_117 : vector<1024x1xf32> to vector<1024x1024xf32>
    %add3A_119 = arith.addf %sub3A_116, %add3A_118 : vector<1024x1024xf32>
    %reduce_min3A_120 = arith.constant dense<0x7F800000> : vector<1024xf32>
    %reduce_min3A_121 = vector.multi_reduction <minimumf>, %add3A_119, %reduce_min3A_120 [0] : vector<1024x1024xf32> to vector<1024xf32>
    %broadcast_in_dim3A_122 = vector.shape_cast %reduce_min3A_121 : vector<1024xf32> to vector<1x1024xf32>
    %iota3A_123 = tpu.iota {dimensions = array<i32: 0>} : vector<1024x1024xi32>
    %eq3A_124 = vector.broadcast %broadcast_in_dim3A_122 : vector<1x1024xf32> to vector<1024x1024xf32>
    %eq3A_125 = arith.cmpf oeq, %add3A_119, %eq3A_124 : vector<1024x1024xf32>
    %jit3A_126 = arith.constant 1024 : i32
    %broadcast_in_dim3A_127 = vector.broadcast %jit3A_126 : i32 to vector<1024x1024xi32>
    %select_n3A_128 = arith.select %eq3A_125, %iota3A_123, %broadcast_in_dim3A_127 : vector<1024x1024xi1>, vector<1024x1024xi32>
    %reduce_min3A_129 = arith.constant dense<2147483647> : vector<1024xi32>
    %reduce_min3A_130 = vector.multi_reduction <minsi>, %select_n3A_128, %reduce_min3A_129 [0] : vector<1024x1024xi32> to vector<1024xi32>
    %swap3A_131 = arith.constant 3 : index
    %swap3A_132 = arith.constant 0 : index
    %swap3A_133 = arith.constant 0 : index
    %swap3A_134 = vector.load %arg3[%swap3A_131, %swap3A_132, %swap3A_133] : memref<4x1x1024xi32, #tpu.memory_space<vmem>>, vector<1x1x1024xi32>
    %swap3A_135 = vector.shape_cast %swap3A_134 : vector<1x1x1024xi32> to vector<1024xi32>
    %swap3A_136 = vector.shape_cast %reduce_min3A_130 : vector<1024xi32> to vector<1x1x1024xi32>
    tpu.vector_store %arg3[%swap3A_131, %swap3A_132, %swap3A_133], %swap3A_136 {strides = array<i32>} : memref<4x1x1024xi32, #tpu.memory_space<vmem>>, vector<1x1x1024xi32>,
    return
  }
  func.func @transform_0(%arg0: i32) -> (i32, i32, i32) {
    %c0_i32 = arith.constant 0 : i32
    %c0_i32_0 = arith.constant 0 : i32
    %c0_i32_1 = arith.constant 0 : i32
    return %arg0, %c0_i32, %c0_i32_0 : i32, i32, i32
  }
  func.func @transform_1(%arg0: i32) -> (i32, i32) {
    %c0_i32 = arith.constant 0 : i32
    %c0_i32_0 = arith.constant 0 : i32
    %c0_i32_1 = arith.constant 0 : i32
    return %c0_i32, %c0_i32_0 : i32, i32
  }
  func.func @transform_2(%arg0: i32) -> (i32, i32, i32) {
    %c0_i32 = arith.constant 0 : i32
    %c0_i32_0 = arith.constant 0 : i32
    %c0_i32_1 = arith.constant 0 : i32
    return %arg0, %c0_i32, %c0_i32_0 : i32, i32, i32
  }
}

module attributes {stable_mosaic.version = 14 : i64} {
  func.func @_transpose_body(%arg0: i32, %arg1: memref<8x1024x256xf32, #tpu.memory_space<vmem>>, %arg2: memref<8x256x1024xf32, #tpu.memory_space<vmem>>) attributes {dimension_semantics = [#tpu.dimension_semantics<arbitrary>], iteration_bounds = array<i64: 2>, scalar_prefetch = 0 : i64, scratch_operands = 0 : i64, tpu.core_type = #tpu.core_type<tc>, window_params = [{transform_indices = @transform_0, window_bounds = array<i64: 8, 1024, 256>}, {transform_indices = @transform_1, window_bounds = array<i64: 8, 256, 1024>}]} {
    %get3A = arith.constant 0 : index
    %get3A_0 = arith.constant 0 : index
    %get3A_1 = arith.constant 0 : index
    %get3A_2 = vector.load %arg1[%get3A, %get3A_0, %get3A_1] : memref<8x1024x256xf32, #tpu.memory_space<vmem>>, vector<8x1024x256xf32>
    %transpose3A = tpu.transpose %get3A_2, [0, 2, 1] : vector<8x1024x256xf32> -> vector<8x256x1024xf32>
    %swap3A = arith.constant 0 : index
    %swap3A_3 = arith.constant 0 : index
    %swap3A_4 = arith.constant 0 : index
    %swap3A_5 = vector.load %arg2[%swap3A, %swap3A_3, %swap3A_4] : memref<8x256x1024xf32, #tpu.memory_space<vmem>>, vector<8x256x1024xf32>
    tpu.vector_store %arg2[%swap3A, %swap3A_3, %swap3A_4], %transpose3A {strides = array<i32>} : memref<8x256x1024xf32, #tpu.memory_space<vmem>>, vector<8x256x1024xf32>,
    return
  }
  func.func @transform_0(%arg0: i32) -> (i32, i32, i32) {
    %c0_i32 = arith.constant 0 : i32
    %c0_i32_0 = arith.constant 0 : i32
    %c0_i32_1 = arith.constant 0 : i32
    return %arg0, %c0_i32, %c0_i32_0 : i32, i32, i32
  }
  func.func @transform_1(%arg0: i32) -> (i32, i32, i32) {
    %c0_i32 = arith.constant 0 : i32
    %c0_i32_0 = arith.constant 0 : i32
    %c0_i32_1 = arith.constant 0 : i32
    return %arg0, %c0_i32, %c0_i32_0 : i32, i32, i32
  }
}

</mosaic_0001>

<sc_bundles>
// kernel: kernel.6.cloned.1.call-start
scs
__scs_entry_jumppad:
0x0: {  	(pc) =	sbr.rel $0x88, $3  }
0x1: {  	(tag) =	ssettag $0x0;
	lr =	simm.s32 $0x1  }
0x2: {  	[smem:$0x3F9F] =	sst lr;
	_ =	strace $0xD0000000  }
0x3: {  	_ = 	snop  }
0x4: {  	_ = 	snop  }
0x5: {  	_ = 	snop  }
0x6: {  	_ = 	snop  }
0x7: {  	_ = 	snop  }
__scs_overlays_trampoline_lowered:
0x8: {  	[smem:$0x3FAE] =	sst s0  }
0x9: {  	[smem:$0x3FAF] =	sst s1  }
0xa: {  	[smem:$0x3FB0] =	sst s2  }
0xb: {  	[smem:$0x3FB1] =	sst s3  }
0xc: {  	[smem:$0x3FB2] =	sst s4  }
0xd: {  	[smem:$0x3FB3] =	sst s5  }
0xe: {  	[smem:$0x3FB4] =	sst s6  }
0xf: {  	[smem:$0x3FB5] =	sst s7  }
0x10: {  	[smem:$0x3FB6] =	sst s8  }
0x11: {  	[smem:$0x3FB7] =	sst s9;
	s0 =	simm.s32 @!p0 $0x0  }
0x12: {  	s1 =	sld [smem:$0x3F9D];
	s0 =	simm.s32 @p0 $0x1  }
0x13: {  	[smem:$0x3FB8] =	sst s0;
	s0 =	simm.s32 @!p1 $0x0  }
0x14: {  	s2 =	sld [smem:$0x3F9C];
	s0 =	simm.s32 @p1 $0x1  }
0x15: {  	[smem:$0x3FB9] =	sst s0;
	s0 =	simm.s32 @!p2 $0x0  }
0x16: {  	s3 =	sld [smem:$0x3FDB];
	s0 =	simm.s32 @p2 $0x1  }
0x17: {  	s4 =	simm.s32 $0x1BF5;
	[smem:$0x3FBB] =	sst s0  }
0x18: {  	s0 =	sld [smem:$0x3F9E];
	_ =	swait.ge [sflag:s4], $0x0  }
0x19: {  	s7 =	sld [smem:$0x3F9F]  }
0x1a: {  	s8 =	sadd.s32 $0xFFFFE003, lr  }
0x1b: {  	s9 =	sadd.s32 $0xFFFFFEF7, lr;
	s5 =	simm.s32 $0xFFFFFFFF;
	p2 =	slt.u32 s8, $0xFFFFF086  }
0x1c: {  	p1 =	slt.u32 s9, $0xF7A;
	s5 =	simm.s32 @!p2 $0x0  }
0x1d: {  	s5 =	simm.s32 @p1 $0x1;
	p0 =	seq.s32 s7, s2  }
0x1e: {  	s7 =	smul.u32 @!p0 $0xF7A, s2;
	p2 =	seq.s32 @!p0 s5, $0x0  }
0x1f: {  	s9 =	smul.u32 $0xF7A, s1;
	s8 =	simm.s32 @!p0 $0x1BF5;
	p2 =	por !p2, p0  }
0x20: {  	[sflag:s8] =	ssyncset.s32 @!p0 $0xFFFFF086;
	s6 =	sadd.s32 @!p0 s3, s7;
	s7 =	simm.s32 @!p0 $0x108  }
0x21: {  	s3 =	sadd.s32 s3, s9;
	s6 =	sadd.s32 @!p0 $0x88, s6;
	s7 =	simm.s32 @p2 $0x1082  }
0x22: {  	[simem:s7], [sflag:s8] =	dma.local @!p0 [hbm:s6], $0xF7A  }
0x23: {  	s9 =	sor.u32 $0xD0000000, s2;
	s6 =	simm.s32 $0x108;
	_ =	swait.ge @!p0 [sflag:s8], $0x0  }
0x24: {  	s3 =	sadd.s32 $0x88, s3;
	s6 =	simm.s32 @!p1 $0x1082;
	[sflag:s4] =	ssyncset.s32 $0xFFFFF086  }
0x25: {  	[simem:s6], [sflag:s4] =	dma.local [hbm:s3], $0xF7A  }
0x26: {  	[smem:$0x3F9F] =	sst s1;
	(tag) =	ssettag s2;
	_ =	strace s9  }
0x27: {  	s1 =	sld [smem:$0x3FAF]  }
0x28: {  	s2 =	sld [smem:$0x3FB0]  }
0x29: {  	s4 =	sld [smem:$0x3FB2]  }
0x2a: {  	p0 =	seq.s32 s5, $0x0;
	s5 =	sld [smem:$0x3FB3]  }
0x2b: {  	s6 =	sld [smem:$0x3FB4]  }
0x2c: {  	s7 =	sld [smem:$0x3FB5]  }
0x2d: {  	s3 =	simm.s32 $0x108;
	s8 =	sld [smem:$0x3FB6]  }
0x2e: {  	s3 =	simm.s32 @!p0 $0x1082;
	s9 =	sld [smem:$0x3FB7]  }
0x2f: {  	lr =	sadd.s32 s0, s3;
	s0 =	sld [smem:$0x3FAE]  }
0x30: {  	s3 =	sld [smem:$0x3FB1]  }
0x31: {  	[smem:$0x3FBA] =	sst s10  }
0x32: {  	s10 =	sld [smem:$0x3FB8];
	_ =	sdelay $0x3  }
0x33: {  	p0 =	seq.s32 s10, $0x1;
	s10 =	sld [smem:$0x3FBA];
	_ =	sdelay $0x3  }
0x34: {  	[smem:$0x3FBA] =	sst s10  }
0x35: {  	s10 =	sld [smem:$0x3FB9];
	_ =	sdelay $0x3  }
0x36: {  	p1 =	seq.s32 s10, $0x1;
	s10 =	sld [smem:$0x3FBA];
	_ =	sdelay $0x3  }
0x37: {  	[smem:$0x3FBA] =	sst s10  }
0x38: {  	s10 =	sld [smem:$0x3FBB]  }
0x39: {  	_ = 	snop;
	(pc) =	sbr.ind lr, $3  }
0x3a: {  	_ = 	snop  }
0x3b: {  	_ = 	snop  }
0x3c: {  	p2 =	seq.s32 s10, $0x1;
	s10 =	sld [smem:$0x3FBA]  }
0x3d: {  	_ =	shalt  }
0x3e: {  	_ =	shalt  }
0x3f: {  	_ =	shalt  }
0x40: {  	_ =	shalt  }
0x41: {  	_ =	shalt  }
0x42: {  	_ =	shalt  }
0x43: {  	_ =	shalt  }
0x44: {  	_ =	shalt  }
0x45: {  	_ =	shalt  }
0x46: {  	_ =	shalt  }
0x47: {  	_ =	shalt  }
0x48: {  	_ =	shalt  }
0x49: {  	_ =	shalt  }
0x4a: {  	_ =	shalt  }
0x4b: {  	_ =	shalt  }
0x4c: {  	_ =	shalt  }
0x4d: {  	_ =	shalt  }
0x4e: {  	_ =	shalt  }
0x4f: {  	_ =	shalt  }
0x50: {  	_ =	shalt  }
0x51: {  	_ =	shalt  }
0x52: {  	_ =	shalt  }
0x53: {  	_ =	shalt  }
0x54: {  	_ =	shalt  }
0x55: {  	_ =	shalt  }
0x56: {  	_ =	shalt  }
0x57: {  	_ =	shalt  }
0x58: {  	_ =	shalt  }
0x59: {  	_ =	shalt  }
0x5a: {  	_ =	shalt  }
0x5b: {  	_ =	shalt  }
0x5c: {  	_ =	shalt  }
0x5d: {  	_ =	shalt  }
0x5e: {  	_ =	shalt  }
0x5f: {  	_ =	shalt  }
0x60: {  	_ =	shalt  }
0x61: {  	_ =	shalt  }
0x62: {  	_ =	shalt  }
0x63: {  	_ =	shalt  }
0x64: {  	_ =	shalt  }
0x65: {  	_ =	shalt  }
0x66: {  	_ =	shalt  }
0x67: {  	_ =	shalt  }
0x68: {  	_ =	shalt  }
0x69: {  	_ =	shalt  }
0x6a: {  	_ =	shalt  }
0x6b: {  	_ =	shalt  }
0x6c: {  	_ =	shalt  }
0x6d: {  	_ =	shalt  }
0x6e: {  	_ =	shalt  }
0x6f: {  	_ =	shalt  }
0x70: {  	_ =	shalt  }
0x71: {  	_ =	shalt  }
0x72: {  	_ =	shalt  }
0x73: {  	_ =	shalt  }
0x74: {  	_ =	shalt  }
0x75: {  	_ =	shalt  }
0x76: {  	_ =	shalt  }
0x77: {  	_ =	shalt  }
0x78: {  	_ =	shalt  }
0x79: {  	_ =	shalt  }
0x7a: {  	_ =	shalt  }
0x7b: {  	_ =	shalt  }
0x7c: {  	_ =	shalt  }
0x7d: {  	_ =	shalt  }
0x7e: {  	_ =	shalt  }
0x7f: {  	_ =	shalt  }
0x80: {  	_ =	shalt  }
0x81: {  	_ =	shalt  }
0x82: {  	_ =	shalt  }
0x83: {  	_ =	shalt  }
0x84: {  	_ =	shalt  }
0x85: {  	_ =	shalt  }
0x86: {  	_ =	shalt  }
0x87: {  	_ =	shalt  }
.Lfunc_end0:
.L_simem_size_0:
called_computation_lowered:
.L_overlay_start_0:
0x88: {  	s2 =	sld [smem:$0x3FD9]  }
0x89: {  	s3 =	sld [smem:$0x3FFE];
	_ =	sdelay $0x1  }
0x8a: {  	s1 =	srdreg.scid  }
0x8b: {  	s0 =	sand.u32 $0x1, s1  }
0x8c: {  	s14 =	sshll.u32 s0, $0xA;
	s2 =	sadd.s32 s3, s2  }
0x8d: {  	s2 =	sadd.s32 s2, s14  }
0x8e: {  	[smem:$0x3FC6] =	sst s2  }
0x8f: {  	_ = 	snop  }
0x90: {  	s2 =	sld [smem:$0x3FD0];
	_ =	sdelay $0x2  }
0x91: {  	s15 =	simm.s32 $0xA;
	s4 =	simm.s32 $0x10  }
0x92: {  	[smem:s4], [sflag:s15] =	dma.local [hbm:s2], $0x1  }
0x93: {  	_ =	swait.eq [sflag:s15], $0x1  }
0x94: {  	[sflag:s15] =	ssyncset.done $0x0  }
0x95: {  	[sflag:s15] =	ssyncadd.s32 $0xFFFFFFFF  }
0x96: {  	s16 =	sld [smem:$0x10];
	(tm) =	ssettm $0x1  }
0x97: {  	s17 =	sld [smem:$0x3FFB];
	_ =	sdelay $0x3  }
0x98: {  	_ =	strace s17  }
0x99: {  	s3 =	sld [smem:$0x3FFC];
	_ =	sdelay $0x3  }
0x9a: {  	_ =	strace s3  }
0x9b: {  	s3 =	sld [smem:$0x3FFD];
	_ =	sdelay $0x3  }
0x9c: {  	_ =	strace s3  }
0x9d: {  	_ =	strace $0x8FFFFFFF  }
0x9e: {  	s18 =	sld [smem:$0x3FDB];
	_ =	sdelay $0x1  }
0x9f: {  	s19 =	simm.s32 $_scs_section_size  }
0xa0: {  	s5 =	simm.s32 $_size__tile_overlayer_lowered;
	s6 =	simm.s32 $_tile_overlayer_lowered  }
0xa1: {  	s22 =	simm.s32 $0x1BFF;
	s21 =	sshll.u32 s6, $0x1;
	s3 =	sadd.s32 s19, s18  }
0xa2: {  	s7 =	simm.s32 $0x0;
	s20 =	sshll.u32 s5, $0x1;
	s5 =	sadd.s32 s21, s3  }
0xa3: {  	[timem:s7], [sflag:s22] =	dma.local [hbm:s5], s20  }
0xa4: {  	_ =	swait.ge [sflag:s22], s20  }
0xa5: {  	s4 =	ssub.s32 $0x0, s20;
	[sflag:s22] =	ssyncset.done $0x0  }
0xa6: {  	[sflag:s22] =	ssyncadd.s32 s4;
	_ =	sdelay $0x1  }
0xa7: {  	s23 =	simm.s32 $0x1B8B  }
0xa8: {  	_ =	swait.ge [sflag:s23], $0x1  }
0xa9: {  	[sflag:s23] =	ssyncset.done $0x0  }
0xaa: {  	s25 =	simm.s32 $0x1B8E;
	s24 =	sld [smem:$0x3FFE];
	[sflag:s23] =	ssyncadd.s32 $0xFFFFFFFF  }
0xab: {  	s26 =	simm.s32 $execute0_lowered;
	[smem:$0x3FD2] =	sst s25  }
0xac: {  	s5 =	sshll.u32 s26, $0x1;
	_ =	strace $0x80000046;
	[dreg:$0x1] =	wrdreg $0xFFFFFFFF  }
0xad: {  	s28 =	simm.s32 $_size_execute0_lowered;
	s3 =	sadd.s32 s3, s5;
	[dreg:$0x0] =	wrdreg $0x0  }
0xae: {  	s5 =	sshll.u32 s28, $0x1;
	[dreg:$0x2] =	wrdreg s3  }
0xaf: {  	[dreg:$0x3] =	wrdreg s5  }
0xb0: {  	[dreg:$0x4] =	wrdreg $0xC0  }
0xb1: {  	_ =	task [dreg:s7], $0x5FFFF  }
0xb2: {  	[dreg:$0x1] =	wrdreg $0xFFFFFFFF  }
0xb3: {  	[dreg:$0x0] =	wrdreg $0x60  }
0xb4: {  	[dreg:$0x2] =	wrdreg s24  }
0xb5: {  	[dreg:$0x3] =	wrdreg s16  }
0xb6: {  	[dreg:$0x4] =	wrdreg $0x9  }
0xb7: {  	_ =	task.clear_ibuf [dreg:s7], $0x5FFFF;
	_ =	strace $0x90000046  }
0xb8: {  	s29 =	simm.s32 $0x9;
	_ =	strace $0x80000048  }
0xb9: {  	_ =	swait.ge [sflag:s29], $0x1  }
0xba: {  	[sflag:s29] =	ssyncadd.s32 $0xFFFFFFFF  }
0xbb: {  	_ =	strace $0x90000048  }
0xbc: {  	_ =	sfence  }
0xbd: {  	s30 =	sld [smem:$0x0];
	_ =	sdelay $0x2  }
0xbe: {  	s31 =	sshll.u32 s1, $0xD;
	s1 =	sshrl.u32 s1, $0x2  }
0xbf: {  	s3 =	sand.u32 $0x4000, s31;
	s1 =	sadd.s32 s1, s30  }
0xc0: {  	s0 =	sor.u32 s3, s0;
	s1 =	sshll.u32 s1, $0x11  }
0xc1: {  	s0 =	sor.u32 s1, s0  }
0xc2: {  	s0 =	sadd.s32 $0x8F2B, s0  }
0xc3: {  	[sflag:s0] =	ssyncadd.remote.s32 $0x1  }
0xc4: {  	_ =	sfence.sel $0xFFFF  }
0xc5: {  	[dreg:$0x0] =	wrdreg $0xFFFFFFFF;
	(pc) =	sbr.abs _section_cstart, $3  }
0xc6: {  	[dreg:$0x1] =	wrdreg $0xFFFFFFFF  }
0xc7: {  	_ =	task.clear_ibuf [dreg:s7], $0x2FFFF;
	_ =	strace $0x9FFFFFFF  }
0xc8: {  	(tm) =	ssettm $0x7FFFFFFF  }
0xc9: {  	_ =	shalt  }
tec
execute0_lowered:
.L_overlay_start_1:
0x0: {  	(tag) =	ssettag $0x1  }
0x1: {  	s0 =	srdreg.scid;
	s1 =	rddreg [dreg:$0x0]  }
0x2: {  	s2 =	stileid.u32;
	s4 =	rddreg [dreg:$0x1]  }
0x3: {  	s7 =	simm.s32 $0x3;
	s18 =	simm.s32 $0x5;
	s19 =	simm.s32 $0x4  }
0x4: {  	s20 =	simm.s32 $0x6;
	s15 =	simm.s32 $0x200;
	s28 =	simm.s32 $0x1200  }
0x5: {  	s29 =	simm.s32 $0x1A00;
	s30 =	simm.s32 $0x2200;
	s31 =	simm.s32 $0x2A00  }
0x6: {  	s9 =	simm.s32 $0x3A00;
	s10 =	simm.s32 $0x4A00;
	s11 =	simm.s32 $0x5200  }
0x7: {  	s12 =	simm.s32 $0x5A00;
	s13 =	simm.s32 $0x6200;
	s0 =	sand.u32 $0x1, s0  }
0x8: {  	s14 =	simm.s32 $0x6A00;
	s2 =	sshll.u32 s2, $0xA;
	s3 =	sshll.u32 s0, $0x9  }
0x9: {  	s16 =	simm.s32 $0x7200;
	s8 =	simm.s32 $0x8200;
	s3 =	sor.u32 s3, s2  }
0xa: {  	s2 =	simm.s32 $0x0;
	s5 =	sshrl.u32 s3, $0x3;
	s3 =	sshll.u32 s3, $0x5  }
0xb: {  	[smem:$0x7FF] =	sst s2;
	s5 =	sadd.s32 s5, s1;
	s3 =	sadd.s32 s4, s3  }
0xc: {  	_ =	strace $0x80000047;
	s5 =	sadd.s32 $0x8800, s5;
	[dreg:$0xb] =	wrdreg s3  }
0xd: {  	s17 =	simm.s32 $0x2;
	s4 =	sadd.s32 $0x800, s3;
	[dreg:$0x3] =	wrdreg s5  }
0xe: {  	s0 =	ssub.s32 $0x2, s0;
	s21 =	sadd.s32 $0x1000, s3;
	[dreg:$0x4] =	wrdreg s4  }
0xf: {  	s26 =	sshrl.u32 s0, $0x1;
	s22 =	sadd.s32 $0x1800, s3;
	[dreg:$0x5] =	wrdreg s21  }
0x10: {  	s0 =	ssub.s32 s0, s26;
	s23 =	sadd.s32 $0x2000, s3;
	[dreg:$0x6] =	wrdreg s22  }
0x11: {  	s26 =	simm.s32 $0xA00;
	s24 =	sadd.s32 $0x2800, s3;
	[dreg:$0x7] =	wrdreg s23  }
0x12: {  	s25 =	sadd.s32 $0x3000, s3;
	s6 =	sadd.s32 $0x3800, s3;
	[dreg:$0x8] =	wrdreg s24  }
0x13: {  	v2 =	vlaneseq.u32;
	s3 =	simm.s32 $0x7A00;
	[dreg:$0x9] =	wrdreg s25;
	s4 =	sadd.s32 $0x800, s1  }
0x14: {  	vm0 =	vmmov $0xffff;
	v1 =	vshrl.u32 v2, $0x3;
	[dreg:$0xa] =	wrdreg s6;
	s5 =	smax.u32 s0, $0x1;
	s21 =	simm.s32 $0x7  }
0x15: {  	v0 =	vand.u32 $0x7, v2;
	v2 =	vor.u32 $0x8, v2;
	v1 =	vmul.u32 $0x8, v1;
	s22 =	simm.s32 $0x8;
	s24 =	simm.s32 $0x4200;
	s23 =	simm.s32 $0x9A00  }
.LBB2_1:
0x16: {  	s25 =	rddreg [dreg:$0x3];
	s1 =	simm.s32 $0x9  }
0x17: {  	[tilespmem:s2], [sflag:$0x9] =	stream.linear.gather [hbm4b:s25+s2], $0x200, $0x38;
	[tilespmem:$0x10200] =	vst v63  }
0x18: {  	_ =	swait.ge [sflag:s1], $0x200  }
0x19: {  	[sflag:s1] =	ssyncset.done $0x0  }
0x1a: {  	[sflag:s1] =	ssyncadd.s32 $0xFFFFFE00  }
0x1b: {  	v3 =	vld [tilespmem:$0x0];
	_ =	sdelay $0x4  }
0x1c: {  	v4 =	vshll.u32 v3, $0x1  }
0x1d: {  	v3 =	vand.u32 $0x7, v3;
	v4 =	vand.u32 $0xFFFFFFF0, v4  }
0x1e: {  	v3 =	vor.u32 v3, v4  }
0x1f: {  	v4 =	vperm.xlane v3, v0;
	_ =	sdelay $0x1  }
0x20: {  	v3 =	vperm.xlane v3, v2;
	v4 =	vadd.s32 v1, v4;
	_ =	sdelay $0x1  }
0x21: {  	v3 =	vadd.s32 v1, v3;
	_ =	sdelay $0x2  }
0x22: {  	[tilespmem:s15], [sflag:$0x1] =	stream.indirect_vreg.gather [hbm4b:s4+s2], $0x80, v4, vm0, $0xb8;
	[tilespmem:$0x10200] =	vst v63  }
0x23: {  	_ = 	snop  }
0x24: {  	[tilespmem:s26], [sflag:$0x1] =	stream.indirect_vreg.gather [hbm4b:s4+s2], $0x80, v3, vm0, $0xb8;
	[tilespmem:$0x10200] =	vst v63  }
0x25: {  	v3 =	vld [tilespmem:$0x10];
	_ =	sdelay $0x4  }
0x26: {  	v33 =	vshll.u32 v3, $0x1  }
0x27: {  	v3 =	vand.u32 $0x7, v3;
	v4 =	vand.u32 $0xFFFFFFF0, v33  }
0x28: {  	v3 =	vor.u32 v3, v4  }
0x29: {  	v4 =	vperm.xlane v3, v0;
	_ =	sdelay $0x1  }
0x2a: {  	v3 =	vperm.xlane v3, v2;
	v4 =	vadd.s32 v1, v4;
	_ =	sdelay $0x1  }
0x2b: {  	v3 =	vadd.s32 v1, v3;
	_ =	sdelay $0x2  }
0x2c: {  	[tilespmem:s28], [sflag:$0x1] =	stream.indirect_vreg.gather [hbm4b:s4+s2], $0x80, v4, vm0, $0xb8;
	[tilespmem:$0x10200] =	vst v63  }
0x2d: {  	_ = 	snop  }
0x2e: {  	[tilespmem:s29], [sflag:$0x1] =	stream.indirect_vreg.gather [hbm4b:s4+s2], $0x80, v3, vm0, $0xb8;
	[tilespmem:$0x10200] =	vst v63  }
0x2f: {  	v3 =	vld [tilespmem:$0x20];
	_ =	sdelay $0x4  }
0x30: {  	v34 =	vshll.u32 v3, $0x1  }
0x31: {  	v3 =	vand.u32 $0x7, v3;
	v4 =	vand.u32 $0xFFFFFFF0, v34  }
0x32: {  	v3 =	vor.u32 v3, v4  }
0x33: {  	v4 =	vperm.xlane v3, v0;
	_ =	sdelay $0x1  }
0x34: {  	v3 =	vperm.xlane v3, v2;
	v4 =	vadd.s32 v1, v4;
	_ =	sdelay $0x1  }
0x35: {  	v3 =	vadd.s32 v1, v3;
	_ =	sdelay $0x2  }
0x36: {  	[tilespmem:s30], [sflag:$0x1] =	stream.indirect_vreg.gather [hbm4b:s4+s2], $0x80, v4, vm0, $0xb8;
	[tilespmem:$0x10200] =	vst v63  }
0x37: {  	_ = 	snop  }
0x38: {  	[tilespmem:s31], [sflag:$0x1] =	stream.indirect_vreg.gather [hbm4b:s4+s2], $0x80, v3, vm0, $0xb8;
	[tilespmem:$0x10200] =	vst v63  }
0x39: {  	v3 =	vld [tilespmem:$0x30];
	_ =	sdelay $0x4  }
0x3a: {  	v35 =	vshll.u32 v3, $0x1  }
0x3b: {  	v3 =	vand.u32 $0x7, v3;
	v4 =	vand.u32 $0xFFFFFFF0, v35  }
0x3c: {  	v3 =	vor.u32 v3, v4  }
0x3d: {  	v4 =	vperm.xlane v3, v0;
	_ =	sdelay $0x1  }
0x3e: {  	v3 =	vperm.xlane v3, v2;
	v4 =	vadd.s32 v1, v4;
	_ =	sdelay $0x1  }
0x3f: {  	v3 =	vadd.s32 v1, v3;
	_ =	sdelay $0x1  }
0x40: {  	s1 =	simm.s32 $0x3200  }
0x41: {  	[tilespmem:s1], [sflag:$0x1] =	stream.indirect_vreg.gather [hbm4b:s4+s2], $0x80, v4, vm0, $0xb8;
	[tilespmem:$0x10200] =	vst v63  }
0x42: {  	_ = 	snop  }
0x43: {  	[tilespmem:s9], [sflag:$0x1] =	stream.indirect_vreg.gather [hbm4b:s4+s2], $0x80, v3, vm0, $0xb8;
	[tilespmem:$0x10200] =	vst v63  }
0x44: {  	v3 =	vld [tilespmem:$0x40];
	_ =	sdelay $0x4  }
0x45: {  	v36 =	vshll.u32 v3, $0x1  }
0x46: {  	v3 =	vand.u32 $0x7, v3;
	v4 =	vand.u32 $0xFFFFFFF0, v36  }
0x47: {  	v3 =	vor.u32 v3, v4  }
0x48: {  	v4 =	vperm.xlane v3, v0;
	_ =	sdelay $0x1  }
0x49: {  	v3 =	vperm.xlane v3, v2;
	v4 =	vadd.s32 v1, v4;
	_ =	sdelay $0x1  }
0x4a: {  	v3 =	vadd.s32 v1, v3;
	_ =	sdelay $0x2  }
0x4b: {  	[tilespmem:s24], [sflag:$0x2] =	stream.indirect_vreg.gather [hbm4b:s4+s2], $0x80, v4, vm0, $0xb8;
	[tilespmem:$0x10200] =	vst v63  }
0x4c: {  	_ = 	snop  }
0x4d: {  	[tilespmem:s10], [sflag:$0x2] =	stream.indirect_vreg.gather [hbm4b:s4+s2], $0x80, v3, vm0, $0xb8;
	[tilespmem:$0x10200] =	vst v63  }
0x4e: {  	v3 =	vld [tilespmem:$0x50];
	_ =	sdelay $0x4  }
0x4f: {  	v37 =	vshll.u32 v3, $0x1  }
0x50: {  	v3 =	vand.u32 $0x7, v3;
	v4 =	vand.u32 $0xFFFFFFF0, v37  }
0x51: {  	v3 =	vor.u32 v3, v4  }
0x52: {  	v4 =	vperm.xlane v3, v0;
	_ =	sdelay $0x1  }
0x53: {  	v3 =	vperm.xlane v3, v2;
	v4 =	vadd.s32 v1, v4;
	_ =	sdelay $0x1  }
0x54: {  	v3 =	vadd.s32 v1, v3;
	_ =	sdelay $0x2  }
0x55: {  	[tilespmem:s11], [sflag:$0x2] =	stream.indirect_vreg.gather [hbm4b:s4+s2], $0x80, v4, vm0, $0xb8;
	[tilespmem:$0x10200] =	vst v63  }
0x56: {  	_ = 	snop  }
0x57: {  	[tilespmem:s12], [sflag:$0x2] =	stream.indirect_vreg.gather [hbm4b:s4+s2], $0x80, v3, vm0, $0xb8;
	[tilespmem:$0x10200] =	vst v63  }
0x58: {  	v3 =	vld [tilespmem:$0x60];
	_ =	sdelay $0x4  }
0x59: {  	v38 =	vshll.u32 v3, $0x1  }
0x5a: {  	v3 =	vand.u32 $0x7, v3;
	v4 =	vand.u32 $0xFFFFFFF0, v38  }
0x5b: {  	v3 =	vor.u32 v3, v4  }
0x5c: {  	v4 =	vperm.xlane v3, v0;
	_ =	sdelay $0x1  }
0x5d: {  	v3 =	vperm.xlane v3, v2;
	v4 =	vadd.s32 v1, v4;
	_ =	sdelay $0x1  }
0x5e: {  	v3 =	vadd.s32 v1, v3;
	_ =	sdelay $0x2  }
0x5f: {  	[tilespmem:s13], [sflag:$0x2] =	stream.indirect_vreg.gather [hbm4b:s4+s2], $0x80, v4, vm0, $0xb8;
	[tilespmem:$0x10200] =	vst v63  }
0x60: {  	_ = 	snop  }
0x61: {  	[tilespmem:s14], [sflag:$0x2] =	stream.indirect_vreg.gather [hbm4b:s4+s2], $0x80, v3, vm0, $0xb8;
	[tilespmem:$0x10200] =	vst v63  }
0x62: {  	v3 =	vld [tilespmem:$0x70];
	_ =	sdelay $0x4  }
0x63: {  	v39 =	vshll.u32 v3, $0x1  }
0x64: {  	v3 =	vand.u32 $0x7, v3;
	v4 =	vand.u32 $0xFFFFFFF0, v39  }
0x65: {  	v3 =	vor.u32 v3, v4  }
0x66: {  	v4 =	vperm.xlane v3, v0;
	_ =	sdelay $0x1  }
0x67: {  	v3 =	vperm.xlane v3, v2;
	v4 =	vadd.s32 v1, v4;
	_ =	sdelay $0x1  }
0x68: {  	v3 =	vadd.s32 v1, v3;
	_ =	sdelay $0x2  }
0x69: {  	[tilespmem:s16], [sflag:$0x2] =	stream.indirect_vreg.gather [hbm4b:s4+s2], $0x80, v4, vm0, $0xb8;
	[tilespmem:$0x10200] =	vst v63  }
0x6a: {  	s0 =	simm.s32 $0x1  }
0x6b: {  	[tilespmem:s3], [sflag:$0x2] =	stream.indirect_vreg.gather [hbm4b:s4+s2], $0x80, v3, vm0, $0xb8;
	[tilespmem:$0x10200] =	vst v63  }
0x6c: {  	_ =	swait.ge [sflag:s0], $0x4000  }
0x6d: {  	[sflag:s0] =	ssyncset.done $0x0  }
0x6e: {  	s6 =	rddreg [dreg:$0xb];
	[sflag:s0] =	ssyncadd.s32 $0xFFFFC000  }
0x6f: {  	[hbm4b:s6+s2] =	stream.linear.scatter [tilespmem:s15], [sflag:$0x5], $0x4000, $0x38;
	[tilespmem:$0x10200] =	vst v63  }
0x70: {  	v3 =	vld [tilespmem:$0x80];
	_ =	sdelay $0x4  }
0x71: {  	v40 =	vshll.u32 v3, $0x1  }
0x72: {  	v3 =	vand.u32 $0x7, v3;
	v4 =	vand.u32 $0xFFFFFFF0, v40  }
0x73: {  	v3 =	vor.u32 v3, v4  }
0x74: {  	v4 =	vperm.xlane v3, v0;
	_ =	sdelay $0x1  }
0x75: {  	v3 =	vperm.xlane v3, v2;
	v4 =	vadd.s32 v1, v4;
	_ =	sdelay $0x1  }
0x76: {  	v3 =	vadd.s32 v1, v3;
	_ =	sdelay $0x2  }
0x77: {  	[tilespmem:s8], [sflag:$0x3] =	stream.indirect_vreg.gather [hbm4b:s4+s2], $0x80, v4, vm0, $0xb8;
	[tilespmem:$0x10200] =	vst v63  }
0x78: {  	s6 =	simm.s32 $0x8A00  }
0x79: {  	[tilespmem:s6], [sflag:$0x3] =	stream.indirect_vreg.gather [hbm4b:s4+s2], $0x80, v3, vm0, $0xb8;
	[tilespmem:$0x10200] =	vst v63  }
0x7a: {  	v3 =	vld [tilespmem:$0x90];
	_ =	sdelay $0x4  }
0x7b: {  	v41 =	vshll.u32 v3, $0x1  }
0x7c: {  	v3 =	vand.u32 $0x7, v3;
	v4 =	vand.u32 $0xFFFFFFF0, v41  }
0x7d: {  	v3 =	vor.u32 v3, v4  }
0x7e: {  	v4 =	vperm.xlane v3, v0;
	_ =	sdelay $0x1  }
0x7f: {  	v3 =	vperm.xlane v3, v2;
	v4 =	vadd.s32 v1, v4;
	_ =	sdelay $0x1  }
0x80: {  	v3 =	vadd.s32 v1, v3;
	_ =	sdelay $0x1  }
0x81: {  	s25 =	simm.s32 $0x9200  }
0x82: {  	[tilespmem:s25], [sflag:$0x3] =	stream.indirect_vreg.gather [hbm4b:s4+s2], $0x80, v4, vm0, $0xb8;
	[tilespmem:$0x10200] =	vst v63  }
0x83: {  	_ = 	snop  }
0x84: {  	[tilespmem:s23], [sflag:$0x3] =	stream.indirect_vreg.gather [hbm4b:s4+s2], $0x80, v3, vm0, $0xb8;
	[tilespmem:$0x10200] =	vst v63  }
0x85: {  	v3 =	vld [tilespmem:$0xA0];
	_ =	sdelay $0x4  }
0x86: {  	v42 =	vshll.u32 v3, $0x1  }
0x87: {  	v3 =	vand.u32 $0x7, v3;
	v4 =	vand.u32 $0xFFFFFFF0, v42  }
0x88: {  	v3 =	vor.u32 v3, v4  }
0x89: {  	v4 =	vperm.xlane v3, v0;
	_ =	sdelay $0x1  }
0x8a: {  	v3 =	vperm.xlane v3, v2;
	v4 =	vadd.s32 v1, v4;
	_ =	sdelay $0x1  }
0x8b: {  	v3 =	vadd.s32 v1, v3;
	_ =	sdelay $0x1  }
0x8c: {  	s25 =	simm.s32 $0xA200  }
0x8d: {  	[tilespmem:s25], [sflag:$0x3] =	stream.indirect_vreg.gather [hbm4b:s4+s2], $0x80, v4, vm0, $0xb8;
	[tilespmem:$0x10200] =	vst v63  }
0x8e: {  	s25 =	simm.s32 $0xAA00  }
0x8f: {  	[tilespmem:s25], [sflag:$0x3] =	stream.indirect_vreg.gather [hbm4b:s4+s2], $0x80, v3, vm0, $0xb8;
	[tilespmem:$0x10200] =	vst v63  }
0x90: {  	v3 =	vld [tilespmem:$0xB0];
	_ =	sdelay $0x4  }
0x91: {  	v43 =	vshll.u32 v3, $0x1  }
0x92: {  	v3 =	vand.u32 $0x7, v3;
	v4 =	vand.u32 $0xFFFFFFF0, v43  }
0x93: {  	v3 =	vor.u32 v3, v4  }
0x94: {  	v4 =	vperm.xlane v3, v0;
	_ =	sdelay $0x1  }
0x95: {  	v3 =	vperm.xlane v3, v2;
	v4 =	vadd.s32 v1, v4;
	_ =	sdelay $0x1  }
0x96: {  	v3 =	vadd.s32 v1, v3;
	_ =	sdelay $0x1  }
0x97: {  	s25 =	simm.s32 $0xB200  }
0x98: {  	[tilespmem:s25], [sflag:$0x3] =	stream.indirect_vreg.gather [hbm4b:s4+s2], $0x80, v4, vm0, $0xb8;
	[tilespmem:$0x10200] =	vst v63  }
0x99: {  	s25 =	simm.s32 $0xBA00  }
0x9a: {  	[tilespmem:s25], [sflag:$0x3] =	stream.indirect_vreg.gather [hbm4b:s4+s2], $0x80, v3, vm0, $0xb8;
	[tilespmem:$0x10200] =	vst v63  }
0x9b: {  	_ =	swait.ge [sflag:s17], $0x4000  }
0x9c: {  	[sflag:s17] =	ssyncset.done $0x0  }
0x9d: {  	s6 =	rddreg [dreg:$0x4];
	[sflag:s17] =	ssyncadd.s32 $0xFFFFC000  }
0x9e: {  	[hbm4b:s6+s2] =	stream.linear.scatter [tilespmem:s24], [sflag:$0x6], $0x4000, $0x38;
	[tilespmem:$0x10200] =	vst v63  }
0x9f: {  	v3 =	vld [tilespmem:$0xC0];
	_ =	sdelay $0x4  }
0xa0: {  	v44 =	vshll.u32 v3, $0x1  }
0xa1: {  	v3 =	vand.u32 $0x7, v3;
	v4 =	vand.u32 $0xFFFFFFF0, v44  }
0xa2: {  	v3 =	vor.u32 v3, v4  }
0xa3: {  	v4 =	vperm.xlane v3, v0;
	_ =	sdelay $0x1  }
0xa4: {  	v3 =	vperm.xlane v3, v2;
	v4 =	vadd.s32 v1, v4;
	_ =	sdelay $0x1  }
0xa5: {  	v3 =	vadd.s32 v1, v3;
	_ =	sdelay $0x1  }
0xa6: {  	s6 =	simm.s32 $0xC200  }
0xa7: {  	[tilespmem:s6], [sflag:$0x4] =	stream.indirect_vreg.gather [hbm4b:s4+s2], $0x80, v4, vm0, $0xb8;
	[tilespmem:$0x10200] =	vst v63  }
0xa8: {  	s25 =	simm.s32 $0xCA00  }
0xa9: {  	[tilespmem:s25], [sflag:$0x4] =	stream.indirect_vreg.gather [hbm4b:s4+s2], $0x80, v3, vm0, $0xb8;
	[tilespmem:$0x10200] =	vst v63  }
0xaa: {  	v3 =	vld [tilespmem:$0xD0];
	_ =	sdelay $0x4  }
0xab: {  	v45 =	vshll.u32 v3, $0x1  }
0xac: {  	v3 =	vand.u32 $0x7, v3;
	v4 =	vand.u32 $0xFFFFFFF0, v45  }
0xad: {  	v3 =	vor.u32 v3, v4  }
0xae: {  	v4 =	vperm.xlane v3, v0;
	_ =	sdelay $0x1  }
0xaf: {  	v3 =	vperm.xlane v3, v2;
	v4 =	vadd.s32 v1, v4;
	_ =	sdelay $0x1  }
0xb0: {  	v3 =	vadd.s32 v1, v3;
	_ =	sdelay $0x1  }
0xb1: {  	s25 =	simm.s32 $0xD200  }
0xb2: {  	[tilespmem:s25], [sflag:$0x4] =	stream.indirect_vreg.gather [hbm4b:s4+s2], $0x80, v4, vm0, $0xb8;
	[tilespmem:$0x10200] =	vst v63  }
0xb3: {  	s25 =	simm.s32 $0xDA00  }
0xb4: {  	[tilespmem:s25], [sflag:$0x4] =	stream.indirect_vreg.gather [hbm4b:s4+s2], $0x80, v3, vm0, $0xb8;
	[tilespmem:$0x10200] =	vst v63  }
0xb5: {  	v3 =	vld [tilespmem:$0xE0];
	_ =	sdelay $0x4  }
0xb6: {  	v46 =	vshll.u32 v3, $0x1  }
0xb7: {  	v3 =	vand.u32 $0x7, v3;
	v4 =	vand.u32 $0xFFFFFFF0, v46  }
0xb8: {  	v3 =	vor.u32 v3, v4  }
0xb9: {  	v4 =	vperm.xlane v3, v0;
	_ =	sdelay $0x1  }
0xba: {  	v3 =	vperm.xlane v3, v2;
	v4 =	vadd.s32 v1, v4;
	_ =	sdelay $0x1  }
0xbb: {  	v3 =	vadd.s32 v1, v3;
	_ =	sdelay $0x1  }
0xbc: {  	s25 =	simm.s32 $0xE200  }
0xbd: {  	[tilespmem:s25], [sflag:$0x4] =	stream.indirect_vreg.gather [hbm4b:s4+s2], $0x80, v4, vm0, $0xb8;
	[tilespmem:$0x10200] =	vst v63  }
0xbe: {  	s25 =	simm.s32 $0xEA00  }
0xbf: {  	[tilespmem:s25], [sflag:$0x4] =	stream.indirect_vreg.gather [hbm4b:s4+s2], $0x80, v3, vm0, $0xb8;
	[tilespmem:$0x10200] =	vst v63  }
0xc0: {  	v3 =	vld [tilespmem:$0xF0];
	_ =	sdelay $0x4  }
0xc1: {  	v47 =	vshll.u32 v3, $0x1  }
0xc2: {  	v3 =	vand.u32 $0x7, v3;
	v4 =	vand.u32 $0xFFFFFFF0, v47  }
0xc3: {  	v3 =	vor.u32 v3, v4  }
0xc4: {  	v4 =	vperm.xlane v3, v0;
	_ =	sdelay $0x1  }
0xc5: {  	v3 =	vperm.xlane v3, v2;
	v4 =	vadd.s32 v1, v4;
	_ =	sdelay $0x1  }
0xc6: {  	v3 =	vadd.s32 v1, v3;
	_ =	sdelay $0x1  }
0xc7: {  	s25 =	simm.s32 $0xF200  }
0xc8: {  	[tilespmem:s25], [sflag:$0x4] =	stream.indirect_vreg.gather [hbm4b:s4+s2], $0x80, v4, vm0, $0xb8;
	[tilespmem:$0x10200] =	vst v63  }
0xc9: {  	s25 =	simm.s32 $0xFA00  }
0xca: {  	[tilespmem:s25], [sflag:$0x4] =	stream.indirect_vreg.gather [hbm4b:s4+s2], $0x80, v3, vm0, $0xb8;
	[tilespmem:$0x10200] =	vst v63  }
0xcb: {  	_ =	swait.ge [sflag:s7], $0x4000  }
0xcc: {  	[sflag:s7] =	ssyncset.done $0x0  }
0xcd: {  	s25 =	rddreg [dreg:$0x5];
	[sflag:s7] =	ssyncadd.s32 $0xFFFFC000  }
0xce: {  	[hbm4b:s25+s2] =	stream.linear.scatter [tilespmem:s8], [sflag:$0x7], $0x4000, $0x38;
	[tilespmem:$0x10200] =	vst v63  }
0xcf: {  	_ =	swait.ge [sflag:s18], $0x4000  }
0xd0: {  	[sflag:s18] =	ssyncset.done $0x0  }
0xd1: {  	[sflag:s18] =	ssyncadd.s32 $0xFFFFC000  }
0xd2: {  	v3 =	vld [tilespmem:$0x100];
	_ =	sdelay $0x4  }
0xd3: {  	v48 =	vshll.u32 v3, $0x1  }
0xd4: {  	v3 =	vand.u32 $0x7, v3;
	v4 =	vand.u32 $0xFFFFFFF0, v48  }
0xd5: {  	v3 =	vor.u32 v3, v4  }
0xd6: {  	v4 =	vperm.xlane v3, v0;
	_ =	sdelay $0x1  }
0xd7: {  	v3 =	vperm.xlane v3, v2;
	v4 =	vadd.s32 v1, v4;
	_ =	sdelay $0x1  }
0xd8: {  	v3 =	vadd.s32 v1, v3;
	_ =	sdelay $0x2  }
0xd9: {  	[tilespmem:s15], [sflag:$0x1] =	stream.indirect_vreg.gather [hbm4b:s4+s2], $0x80, v4, vm0, $0xb8;
	[tilespmem:$0x10200] =	vst v63  }
0xda: {  	_ = 	snop  }
0xdb: {  	[tilespmem:s26], [sflag:$0x1] =	stream.indirect_vreg.gather [hbm4b:s4+s2], $0x80, v3, vm0, $0xb8;
	[tilespmem:$0x10200] =	vst v63  }
0xdc: {  	v3 =	vld [tilespmem:$0x110];
	_ =	sdelay $0x4  }
0xdd: {  	v49 =	vshll.u32 v3, $0x1  }
0xde: {  	v3 =	vand.u32 $0x7, v3;
	v4 =	vand.u32 $0xFFFFFFF0, v49  }
0xdf: {  	v3 =	vor.u32 v3, v4  }
0xe0: {  	v4 =	vperm.xlane v3, v0;
	_ =	sdelay $0x1  }
0xe1: {  	v3 =	vperm.xlane v3, v2;
	v4 =	vadd.s32 v1, v4;
	_ =	sdelay $0x1  }
0xe2: {  	v3 =	vadd.s32 v1, v3;
	_ =	sdelay $0x2  }
0xe3: {  	[tilespmem:s28], [sflag:$0x1] =	stream.indirect_vreg.gather [hbm4b:s4+s2], $0x80, v4, vm0, $0xb8;
	[tilespmem:$0x10200] =	vst v63  }
0xe4: {  	_ = 	snop  }
0xe5: {  	[tilespmem:s29], [sflag:$0x1] =	stream.indirect_vreg.gather [hbm4b:s4+s2], $0x80, v3, vm0, $0xb8;
	[tilespmem:$0x10200] =	vst v63  }
0xe6: {  	v3 =	vld [tilespmem:$0x120];
	_ =	sdelay $0x4  }
0xe7: {  	v50 =	vshll.u32 v3, $0x1  }
0xe8: {  	v3 =	vand.u32 $0x7, v3;
	v4 =	vand.u32 $0xFFFFFFF0, v50  }
0xe9: {  	v3 =	vor.u32 v3, v4  }
0xea: {  	v4 =	vperm.xlane v3, v0;
	_ =	sdelay $0x1  }
0xeb: {  	v3 =	vperm.xlane v3, v2;
	v4 =	vadd.s32 v1, v4;
	_ =	sdelay $0x1  }
0xec: {  	v3 =	vadd.s32 v1, v3;
	_ =	sdelay $0x2  }
0xed: {  	[tilespmem:s30], [sflag:$0x1] =	stream.indirect_vreg.gather [hbm4b:s4+s2], $0x80, v4, vm0, $0xb8;
	[tilespmem:$0x10200] =	vst v63  }
0xee: {  	_ = 	snop  }
0xef: {  	[tilespmem:s31], [sflag:$0x1] =	stream.indirect_vreg.gather [hbm4b:s4+s2], $0x80, v3, vm0, $0xb8;
	[tilespmem:$0x10200] =	vst v63  }
0xf0: {  	v3 =	vld [tilespmem:$0x130];
	_ =	sdelay $0x4  }
0xf1: {  	v51 =	vshll.u32 v3, $0x1  }
0xf2: {  	v3 =	vand.u32 $0x7, v3;
	v4 =	vand.u32 $0xFFFFFFF0, v51  }
0xf3: {  	v3 =	vor.u32 v3, v4  }
0xf4: {  	v4 =	vperm.xlane v3, v0;
	_ =	sdelay $0x1  }
0xf5: {  	v3 =	vperm.xlane v3, v2;
	v4 =	vadd.s32 v1, v4;
	_ =	sdelay $0x1  }
0xf6: {  	v3 =	vadd.s32 v1, v3;
	_ =	sdelay $0x2  }
0xf7: {  	[tilespmem:s1], [sflag:$0x1] =	stream.indirect_vreg.gather [hbm4b:s4+s2], $0x80, v4, vm0, $0xb8;
	[tilespmem:$0x10200] =	vst v63  }
0xf8: {  	_ = 	snop  }
0xf9: {  	[tilespmem:s9], [sflag:$0x1] =	stream.indirect_vreg.gather [hbm4b:s4+s2], $0x80, v3, vm0, $0xb8;
	[tilespmem:$0x10200] =	vst v63  }
0xfa: {  	_ =	swait.ge [sflag:s19], $0x4000  }
0xfb: {  	[sflag:s19] =	ssyncset.done $0x0  }
0xfc: {  	s1 =	rddreg [dreg:$0x6];
	[sflag:s19] =	ssyncadd.s32 $0xFFFFC000  }
0xfd: {  	[hbm4b:s1+s2] =	stream.linear.scatter [tilespmem:s6], [sflag:$0x8], $0x4000, $0x38;
	[tilespmem:$0x10200] =	vst v63  }
0xfe: {  	_ =	swait.ge [sflag:s20], $0x4000  }
0xff: {  	[sflag:s20] =	ssyncset.done $0x0  }
0x100: {  	[sflag:s20] =	ssyncadd.s32 $0xFFFFC000  }
0x101: {  	v3 =	vld [tilespmem:$0x140];
	_ =	sdelay $0x4  }
0x102: {  	v52 =	vshll.u32 v3, $0x1  }
0x103: {  	v3 =	vand.u32 $0x7, v3;
	v4 =	vand.u32 $0xFFFFFFF0, v52  }
0x104: {  	v3 =	vor.u32 v3, v4  }
0x105: {  	v4 =	vperm.xlane v3, v0;
	_ =	sdelay $0x1  }
0x106: {  	v3 =	vperm.xlane v3, v2;
	v4 =	vadd.s32 v1, v4;
	_ =	sdelay $0x1  }
0x107: {  	v3 =	vadd.s32 v1, v3;
	_ =	sdelay $0x2  }
0x108: {  	[tilespmem:s24], [sflag:$0x2] =	stream.indirect_vreg.gather [hbm4b:s4+s2], $0x80, v4, vm0, $0xb8;
	[tilespmem:$0x10200] =	vst v63  }
0x109: {  	_ = 	snop  }
0x10a: {  	[tilespmem:s10], [sflag:$0x2] =	stream.indirect_vreg.gather [hbm4b:s4+s2], $0x80, v3, vm0, $0xb8;
	[tilespmem:$0x10200] =	vst v63  }
0x10b: {  	v3 =	vld [tilespmem:$0x150];
	_ =	sdelay $0x4  }
0x10c: {  	v53 =	vshll.u32 v3, $0x1  }
0x10d: {  	v3 =	vand.u32 $0x7, v3;
	v4 =	vand.u32 $0xFFFFFFF0, v53  }
0x10e: {  	v3 =	vor.u32 v3, v4  }
0x10f: {  	v4 =	vperm.xlane v3, v0;
	_ =	sdelay $0x1  }
0x110: {  	v3 =	vperm.xlane v3, v2;
	v4 =	vadd.s32 v1, v4;
	_ =	sdelay $0x1  }
0x111: {  	v3 =	vadd.s32 v1, v3;
	_ =	sdelay $0x2  }
0x112: {  	[tilespmem:s11], [sflag:$0x2] =	stream.indirect_vreg.gather [hbm4b:s4+s2], $0x80, v4, vm0, $0xb8;
	[tilespmem:$0x10200] =	vst v63  }
0x113: {  	_ = 	snop  }
0x114: {  	[tilespmem:s12], [sflag:$0x2] =	stream.indirect_vreg.gather [hbm4b:s4+s2], $0x80, v3, vm0, $0xb8;
	[tilespmem:$0x10200] =	vst v63  }
0x115: {  	v3 =	vld [tilespmem:$0x160];
	_ =	sdelay $0x4  }
0x116: {  	v54 =	vshll.u32 v3, $0x1  }
0x117: {  	v3 =	vand.u32 $0x7, v3;
	v4 =	vand.u32 $0xFFFFFFF0, v54  }
0x118: {  	v3 =	vor.u32 v3, v4  }
0x119: {  	v4 =	vperm.xlane v3, v0;
	_ =	sdelay $0x1  }
0x11a: {  	v3 =	vperm.xlane v3, v2;
	v4 =	vadd.s32 v1, v4;
	_ =	sdelay $0x1  }
0x11b: {  	v3 =	vadd.s32 v1, v3;
	_ =	sdelay $0x2  }
0x11c: {  	[tilespmem:s13], [sflag:$0x2] =	stream.indirect_vreg.gather [hbm4b:s4+s2], $0x80, v4, vm0, $0xb8;
	[tilespmem:$0x10200] =	vst v63  }
0x11d: {  	_ = 	snop  }
0x11e: {  	[tilespmem:s14], [sflag:$0x2] =	stream.indirect_vreg.gather [hbm4b:s4+s2], $0x80, v3, vm0, $0xb8;
	[tilespmem:$0x10200] =	vst v63  }
0x11f: {  	v3 =	vld [tilespmem:$0x170];
	_ =	sdelay $0x4  }
0x120: {  	v55 =	vshll.u32 v3, $0x1  }
0x121: {  	v3 =	vand.u32 $0x7, v3;
	v4 =	vand.u32 $0xFFFFFFF0, v55  }
0x122: {  	v3 =	vor.u32 v3, v4  }
0x123: {  	v4 =	vperm.xlane v3, v0;
	_ =	sdelay $0x1  }
0x124: {  	v3 =	vperm.xlane v3, v2;
	v4 =	vadd.s32 v1, v4;
	_ =	sdelay $0x1  }
0x125: {  	v3 =	vadd.s32 v1, v3;
	_ =	sdelay $0x2  }
0x126: {  	[tilespmem:s16], [sflag:$0x2] =	stream.indirect_vreg.gather [hbm4b:s4+s2], $0x80, v4, vm0, $0xb8;
	[tilespmem:$0x10200] =	vst v63  }
0x127: {  	_ = 	snop  }
0x128: {  	[tilespmem:s3], [sflag:$0x2] =	stream.indirect_vreg.gather [hbm4b:s4+s2], $0x80, v3, vm0, $0xb8;
	[tilespmem:$0x10200] =	vst v63  }
0x129: {  	_ =	swait.ge [sflag:s0], $0x4000  }
0x12a: {  	[sflag:s0] =	ssyncset.done $0x0  }
0x12b: {  	s1 =	rddreg [dreg:$0x7];
	[sflag:s0] =	ssyncadd.s32 $0xFFFFC000  }
0x12c: {  	[hbm4b:s1+s2] =	stream.linear.scatter [tilespmem:s15], [sflag:$0x5], $0x4000, $0x38;
	[tilespmem:$0x10200] =	vst v63  }
0x12d: {  	_ =	swait.ge [sflag:s21], $0x4000  }
0x12e: {  	[sflag:s21] =	ssyncset.done $0x0  }
0x12f: {  	[sflag:s21] =	ssyncadd.s32 $0xFFFFC000  }
0x130: {  	v3 =	vld [tilespmem:$0x180];
	_ =	sdelay $0x4  }
0x131: {  	v56 =	vshll.u32 v3, $0x1  }
0x132: {  	v3 =	vand.u32 $0x7, v3;
	v4 =	vand.u32 $0xFFFFFFF0, v56  }
0x133: {  	v3 =	vor.u32 v3, v4  }
0x134: {  	v4 =	vperm.xlane v3, v0;
	_ =	sdelay $0x1  }
0x135: {  	v3 =	vperm.xlane v3, v2;
	v4 =	vadd.s32 v1, v4;
	_ =	sdelay $0x1  }
0x136: {  	v3 =	vadd.s32 v1, v3;
	_ =	sdelay $0x2  }
0x137: {  	[tilespmem:s8], [sflag:$0x3] =	stream.indirect_vreg.gather [hbm4b:s4+s2], $0x80, v4, vm0, $0xb8;
	[tilespmem:$0x10200] =	vst v63  }
0x138: {  	s1 =	simm.s32 $0x8A00  }
0x139: {  	[tilespmem:s1], [sflag:$0x3] =	stream.indirect_vreg.gather [hbm4b:s4+s2], $0x80, v3, vm0, $0xb8;
	[tilespmem:$0x10200] =	vst v63  }
0x13a: {  	v3 =	vld [tilespmem:$0x190];
	_ =	sdelay $0x4  }
0x13b: {  	v57 =	vshll.u32 v3, $0x1  }
0x13c: {  	v3 =	vand.u32 $0x7, v3;
	v4 =	vand.u32 $0xFFFFFFF0, v57  }
0x13d: {  	v3 =	vor.u32 v3, v4  }
0x13e: {  	v4 =	vperm.xlane v3, v0;
	_ =	sdelay $0x1  }
0x13f: {  	v3 =	vperm.xlane v3, v2;
	v4 =	vadd.s32 v1, v4;
	_ =	sdelay $0x1  }
0x140: {  	v3 =	vadd.s32 v1, v3;
	_ =	sdelay $0x1  }
0x141: {  	s25 =	simm.s32 $0x9200  }
0x142: {  	[tilespmem:s25], [sflag:$0x3] =	stream.indirect_vreg.gather [hbm4b:s4+s2], $0x80, v4, vm0, $0xb8;
	[tilespmem:$0x10200] =	vst v63  }
0x143: {  	_ = 	snop  }
0x144: {  	[tilespmem:s23], [sflag:$0x3] =	stream.indirect_vreg.gather [hbm4b:s4+s2], $0x80, v3, vm0, $0xb8;
	[tilespmem:$0x10200] =	vst v63  }
0x145: {  	v3 =	vld [tilespmem:$0x1A0];
	_ =	sdelay $0x4  }
0x146: {  	v58 =	vshll.u32 v3, $0x1  }
0x147: {  	v3 =	vand.u32 $0x7, v3;
	v4 =	vand.u32 $0xFFFFFFF0, v58  }
0x148: {  	v3 =	vor.u32 v3, v4  }
0x149: {  	v4 =	vperm.xlane v3, v0;
	_ =	sdelay $0x1  }
0x14a: {  	v3 =	vperm.xlane v3, v2;
	v4 =	vadd.s32 v1, v4;
	_ =	sdelay $0x1  }
0x14b: {  	v3 =	vadd.s32 v1, v3;
	_ =	sdelay $0x1  }
0x14c: {  	s1 =	simm.s32 $0xA200  }
0x14d: {  	[tilespmem:s1], [sflag:$0x3] =	stream.indirect_vreg.gather [hbm4b:s4+s2], $0x80, v4, vm0, $0xb8;
	[tilespmem:$0x10200] =	vst v63  }
0x14e: {  	s25 =	simm.s32 $0xAA00  }
0x14f: {  	[tilespmem:s25], [sflag:$0x3] =	stream.indirect_vreg.gather [hbm4b:s4+s2], $0x80, v3, vm0, $0xb8;
	[tilespmem:$0x10200] =	vst v63  }
0x150: {  	v3 =	vld [tilespmem:$0x1B0];
	_ =	sdelay $0x4  }
0x151: {  	v59 =	vshll.u32 v3, $0x1  }
0x152: {  	v3 =	vand.u32 $0x7, v3;
	v4 =	vand.u32 $0xFFFFFFF0, v59  }
0x153: {  	v3 =	vor.u32 v3, v4  }
0x154: {  	v4 =	vperm.xlane v3, v0;
	_ =	sdelay $0x1  }
0x155: {  	v3 =	vperm.xlane v3, v2;
	v4 =	vadd.s32 v1, v4;
	_ =	sdelay $0x1  }
0x156: {  	v3 =	vadd.s32 v1, v3;
	_ =	sdelay $0x1  }
0x157: {  	s1 =	simm.s32 $0xB200  }
0x158: {  	[tilespmem:s1], [sflag:$0x3] =	stream.indirect_vreg.gather [hbm4b:s4+s2], $0x80, v4, vm0, $0xb8;
	[tilespmem:$0x10200] =	vst v63  }
0x159: {  	s25 =	simm.s32 $0xBA00  }
0x15a: {  	[tilespmem:s25], [sflag:$0x3] =	stream.indirect_vreg.gather [hbm4b:s4+s2], $0x80, v3, vm0, $0xb8;
	[tilespmem:$0x10200] =	vst v63  }
0x15b: {  	_ =	swait.ge [sflag:s17], $0x4000  }
0x15c: {  	[sflag:s17] =	ssyncset.done $0x0  }
0x15d: {  	s1 =	rddreg [dreg:$0x8];
	[sflag:s17] =	ssyncadd.s32 $0xFFFFC000  }
0x15e: {  	[hbm4b:s1+s2] =	stream.linear.scatter [tilespmem:s24], [sflag:$0x6], $0x4000, $0x38;
	[tilespmem:$0x10200] =	vst v63  }
0x15f: {  	_ =	swait.ge [sflag:s22], $0x4000  }
0x160: {  	[sflag:s22] =	ssyncset.done $0x0  }
0x161: {  	[sflag:s22] =	ssyncadd.s32 $0xFFFFC000  }
0x162: {  	v3 =	vld [tilespmem:$0x1C0];
	_ =	sdelay $0x4  }
0x163: {  	v60 =	vshll.u32 v3, $0x1  }
0x164: {  	v3 =	vand.u32 $0x7, v3;
	v4 =	vand.u32 $0xFFFFFFF0, v60  }
0x165: {  	v3 =	vor.u32 v3, v4  }
0x166: {  	v4 =	vperm.xlane v3, v0;
	_ =	sdelay $0x1  }
0x167: {  	v3 =	vperm.xlane v3, v2;
	v4 =	vadd.s32 v1, v4;
	_ =	sdelay $0x1  }
0x168: {  	v3 =	vadd.s32 v1, v3;
	_ =	sdelay $0x2  }
0x169: {  	[tilespmem:s6], [sflag:$0x4] =	stream.indirect_vreg.gather [hbm4b:s4+s2], $0x80, v4, vm0, $0xb8;
	[tilespmem:$0x10200] =	vst v63  }
0x16a: {  	s25 =	simm.s32 $0xCA00  }
0x16b: {  	[tilespmem:s25], [sflag:$0x4] =	stream.indirect_vreg.gather [hbm4b:s4+s2], $0x80, v3, vm0, $0xb8;
	[tilespmem:$0x10200] =	vst v63  }
0x16c: {  	v3 =	vld [tilespmem:$0x1D0];
	_ =	sdelay $0x4  }
0x16d: {  	v61 =	vshll.u32 v3, $0x1  }
0x16e: {  	v3 =	vand.u32 $0x7, v3;
	v4 =	vand.u32 $0xFFFFFFF0, v61  }
0x16f: {  	v3 =	vor.u32 v3, v4  }
0x170: {  	v4 =	vperm.xlane v3, v0;
	_ =	sdelay $0x1  }
0x171: {  	v3 =	vperm.xlane v3, v2;
	v4 =	vadd.s32 v1, v4;
	_ =	sdelay $0x1  }
0x172: {  	v3 =	vadd.s32 v1, v3;
	_ =	sdelay $0x1  }
0x173: {  	s1 =	simm.s32 $0xD200  }
0x174: {  	[tilespmem:s1], [sflag:$0x4] =	stream.indirect_vreg.gather [hbm4b:s4+s2], $0x80, v4, vm0, $0xb8;
	[tilespmem:$0x10200] =	vst v63  }
0x175: {  	s25 =	simm.s32 $0xDA00  }
0x176: {  	[tilespmem:s25], [sflag:$0x4] =	stream.indirect_vreg.gather [hbm4b:s4+s2], $0x80, v3, vm0, $0xb8;
	[tilespmem:$0x10200] =	vst v63  }
0x177: {  	v3 =	vld [tilespmem:$0x1E0];
	_ =	sdelay $0x4  }
0x178: {  	v62 =	vshll.u32 v3, $0x1  }
0x179: {  	v3 =	vand.u32 $0x7, v3;
	v4 =	vand.u32 $0xFFFFFFF0, v62  }
0x17a: {  	v3 =	vor.u32 v3, v4  }
0x17b: {  	v4 =	vperm.xlane v3, v0;
	_ =	sdelay $0x1  }
0x17c: {  	v3 =	vperm.xlane v3, v2;
	v4 =	vadd.s32 v1, v4;
	_ =	sdelay $0x1  }
0x17d: {  	v3 =	vadd.s32 v1, v3;
	_ =	sdelay $0x1  }
0x17e: {  	s1 =	simm.s32 $0xE200  }
0x17f: {  	[tilespmem:s1], [sflag:$0x4] =	stream.indirect_vreg.gather [hbm4b:s4+s2], $0x80, v4, vm0, $0xb8;
	[tilespmem:$0x10200] =	vst v63  }
0x180: {  	s25 =	simm.s32 $0xEA00  }
0x181: {  	[tilespmem:s25], [sflag:$0x4] =	stream.indirect_vreg.gather [hbm4b:s4+s2], $0x80, v3, vm0, $0xb8;
	[tilespmem:$0x10200] =	vst v63  }
0x182: {  	v3 =	vld [tilespmem:$0x1F0];
	_ =	sdelay $0x4  }
0x183: {  	v63 =	vshll.u32 v3, $0x1  }
0x184: {  	v3 =	vand.u32 $0x7, v3;
	v4 =	vand.u32 $0xFFFFFFF0, v63  }
0x185: {  	v3 =	vor.u32 v3, v4  }
0x186: {  	v4 =	vperm.xlane v3, v0;
	_ =	sdelay $0x1  }
0x187: {  	v3 =	vperm.xlane v3, v2;
	v4 =	vadd.s32 v1, v4;
	_ =	sdelay $0x1  }
0x188: {  	v3 =	vadd.s32 v1, v3;
	_ =	sdelay $0x1  }
0x189: {  	s1 =	simm.s32 $0xF200  }
0x18a: {  	[tilespmem:s1], [sflag:$0x4] =	stream.indirect_vreg.gather [hbm4b:s4+s2], $0x80, v4, vm0, $0xb8;
	[tilespmem:$0x10200] =	vst v63  }
0x18b: {  	s25 =	simm.s32 $0xFA00  }
0x18c: {  	[tilespmem:s25], [sflag:$0x4] =	stream.indirect_vreg.gather [hbm4b:s4+s2], $0x80, v3, vm0, $0xb8;
	[tilespmem:$0x10200] =	vst v63  }
0x18d: {  	_ =	swait.ge [sflag:s7], $0x4000  }
0x18e: {  	[sflag:s7] =	ssyncset.done $0x0  }
0x18f: {  	s0 =	rddreg [dreg:$0x9];
	[sflag:s7] =	ssyncadd.s32 $0xFFFFC000  }
0x190: {  	[hbm4b:s0+s2] =	stream.linear.scatter [tilespmem:s8], [sflag:$0x7], $0x4000, $0x38;
	[tilespmem:$0x10200] =	vst v63  }
0x191: {  	_ =	swait.ge [sflag:s19], $0x4000  }
0x192: {  	[sflag:s19] =	ssyncset.done $0x0  }
0x193: {  	s1 =	rddreg [dreg:$0xa];
	[sflag:s19] =	ssyncadd.s32 $0xFFFFC000  }
0x194: {  	[hbm4b:s1+s2] =	stream.linear.scatter [tilespmem:s6], [sflag:$0x8], $0x4000, $0x38;
	[tilespmem:$0x10200] =	vst v63  }
0x195: {  	_ =	swait.ge [sflag:s18], $0x4000  }
0x196: {  	[sflag:s18] =	ssyncset.done $0x0  }
0x197: {  	[sflag:s18] =	ssyncadd.s32 $0xFFFFC000  }
0x198: {  	_ =	swait.ge [sflag:s20], $0x4000  }
0x199: {  	[sflag:s20] =	ssyncset.done $0x0  }
0x19a: {  	[sflag:s20] =	ssyncadd.s32 $0xFFFFC000  }
0x19b: {  	p0 =	sne.s32 s5, $0x1;
	_ =	swait.ge [sflag:s21], $0x4000  }
.Ltmp0:
0x19c: {  	[sflag:s21] =	ssyncset.done $0x0;
	(pc) =	sbr.rel @p0 .LBB2_1-.Ltmp0, $4  }
0x19d: {  	[sflag:s21] =	ssyncadd.s32 $0xFFFFC000  }
0x19e: {  	_ =	swait.ge [sflag:s22], $0x4000  }
0x19f: {  	[sflag:s22] =	ssyncset.done $0x0  }
0x1a0: {  	s5 =	sadd.s32 $0xFFFFFFFF, s5;
	[sflag:s22] =	ssyncadd.s32 $0xFFFFC000  }
0x1a1: {  	_ =	sfence.sel $0x180000  }
0x1a2: {  	[bflag:$0x0] =	sbarrier.arrive $0xFFFF  }
0x1a3: {  	_ =	strace $0x90000047  }
0x1a4: {  	s0 =	stileid.u32;
	[bflag:$0x2] =	sbarrier.arrive $0xFFFF  }
0x1a5: {  	p0 =	sne.s32 s0, $0x0;
	s0 =	rddreg [dreg:$0x2]  }
0x1a6: {  	s0 =	sadd.s32 @!p0 $0x100000, s0  }
0x1a7: {  	[sflag:s0] =	ssyncadd.tile.s32 @!p0 $0x1;
	_ =	shalt  }
.Lfunc_end2:
_tile_overlayer_lowered:
.L_overlay_start_2:
0x1a8: {  	(tag) =	ssettag $0x2  }
0x1a9: {  	s0 =	rddreg [dreg:$0x0];
	s2 =	stileid.u32  }
0x1aa: {  	s1 =	rddreg [dreg:$0x1];
	p0 =	sne.s32 s2, $0x0  }
0x1ab: {  	s3 =	rddreg [dreg:$0x2];
	[bflag:$0x3] =	sbarrier.arrive $0xFFFF;
	s2 =	simm.s32 @!p0 $0x1C09  }
0x1ac: {  	[timem:s3], [sflag:s2] =	dma.local @!p0 [hbm:s0], s1  }
0x1ad: {  	s0 =	simm.s32 @!p0 $0x9  }
0x1ae: {  	_ =	swait.ge @!p0 [sflag:s0], s1  }
0x1af: {  	s1 =	ssub.s32 @!p0 $0x0, s1;
	[sflag:s0] =	ssyncset.done @!p0 $0x0  }
0x1b0: {  	[sflag:s0] =	ssyncadd.s32 @!p0 s1  }
0x1b1: {  	[bflag:$0x3] =	sbarrier.arrive $0xFFFF  }
0x1b2: {  	_ =	shalt  }

</sc_bundles>
